<compile_context>
chip_gen: v7x
topology: tpu7x:2x2x1
jax: 0.10.2.dev20260603
libtpu: 0.0.44.dev20260713+nightly
codegen_flags: <defaults>
</compile_context>

<pallas_src>
import functools

import jax
import jax.numpy as jnp
from jax import lax
from jax.experimental import pallas as pl
from jax.experimental.pallas import tpu as pltpu
from jax.experimental.pallas import tpu_sc as plsc

VOCAB = 100000
EMBED_DIM = 128
BATCH = 4096
SEQ_LEN = 200
N_IDX = BATCH * SEQ_LEN

_info = plsc.get_sparse_core_info()
_NC, _NS = _info.num_cores, _info.num_subcores
_NW = _NC * _NS
_PER_W = N_IDX // _NW
_CHUNK = 128
_N_CHUNKS = _PER_W // _CHUNK
_NBUF = 5
_SKEW = 2
_N_OUTER = _N_CHUNKS // _NBUF

_mesh = plsc.VectorSubcoreMesh(core_axis_name="c", subcore_axis_name="s")


@functools.partial(
    pl.kernel,
    mesh=_mesh,
    out_type=jax.ShapeDtypeStruct((N_IDX, EMBED_DIM), jnp.float32),
    scratch_types=[
        pltpu.VMEM((_PER_W,), jnp.int32),
        pltpu.VMEM((_NBUF, _CHUNK, EMBED_DIM), jnp.float32),
        pltpu.SemaphoreType.DMA,
        pltpu.SemaphoreType.DMA((_NBUF,)),
        pltpu.SemaphoreType.DMA((_NBUF,)),
    ],
)
def _gather_kernel(idx_hbm, table_hbm, out_hbm, idx_v, rows_v, isem, gsem, osem):
    wid = lax.axis_index("s") * _NC + lax.axis_index("c")
    base = wid * _PER_W

    pltpu.async_copy(idx_hbm.at[pl.ds(base, _PER_W)], idx_v, isem).wait()

    def gather_args(g, b):
        return (
            table_hbm.at[idx_v.at[pl.ds(g * _CHUNK, _CHUNK)]],
            rows_v.at[b],
            gsem.at[b],
        )

    def put_args(g, b):
        return (
            rows_v.at[b],
            out_hbm.at[pl.ds(base + g * _CHUNK, _CHUNK)],
            osem.at[b],
        )

    for g in range(_SKEW):
        pltpu.async_copy(*gather_args(g, g % _NBUF))
    for b in range(_NBUF):
        g = b
        pltpu.make_async_copy(*gather_args(g, b)).wait()
        pltpu.async_copy(*put_args(g, b))
        if g + _SKEW - _NBUF >= 0:
            pltpu.make_async_copy(
                *put_args(g + _SKEW - _NBUF, (g + _SKEW) % _NBUF)
            ).wait()
        pltpu.async_copy(*gather_args(g + _SKEW, (g + _SKEW) % _NBUF))

    def outer(o, carry):
        for b in range(_NBUF):
            g = o * _NBUF + b
            pltpu.make_async_copy(*gather_args(g, b)).wait()
            pltpu.async_copy(*put_args(g, b))
            pltpu.make_async_copy(
                *put_args(g + _SKEW - _NBUF, (b + _SKEW) % _NBUF)
            ).wait()
            pltpu.async_copy(*gather_args(g + _SKEW, (b + _SKEW) % _NBUF))
        return carry

    lax.fori_loop(1, _N_OUTER - 1, outer, 0)

    for b in range(_NBUF):
        g = (_N_OUTER - 1) * _NBUF + b
        pltpu.make_async_copy(*gather_args(g, b)).wait()
        pltpu.async_copy(*put_args(g, b))
        pltpu.make_async_copy(
            *put_args(g + _SKEW - _NBUF, (b + _SKEW) % _NBUF)
        ).wait()
        if g + _SKEW < _N_CHUNKS:
            pltpu.async_copy(*gather_args(g + _SKEW, (b + _SKEW) % _NBUF))
    for g in range(_N_CHUNKS - (_NBUF - _SKEW), _N_CHUNKS):
        pltpu.make_async_copy(*put_args(g, g % _NBUF)).wait()


def kernel(x, word_vectors):
    idx = x.reshape(-1).astype(jnp.int32)
    out = _gather_kernel(idx, word_vectors)
    return out.reshape(BATCH, SEQ_LEN, EMBED_DIM)

# --- scband reference (transcript-rebuilt; emitter-appended) ---
"""Pipeline reference for scband-input-embedding-layer-22857815949542 (READ-ONLY COPY).

The authoritative reference and input builder live on the scoring server;
editing this copy changes nothing except your own understanding.
"""

import jax, jax.numpy as jnp
import numpy as np

VOCAB = 100000
EMBED_DIM = 128
BATCH = 4096
SEQ_LEN = 200
DROP_PROB = 0.1  # dropout is identity in eval mode


def setup_inputs(seed: int = 0) -> dict:
    key = jax.random.key(seed)
    k1, k2 = jax.random.split(key)
    x = jax.random.randint(k1, (BATCH, SEQ_LEN), 0, VOCAB, dtype=jnp.int64 if jax.config.read('jax_enable_x64') else jnp.int32)
    word_vectors = jax.random.normal(k2, (VOCAB, EMBED_DIM), dtype=jnp.float32)
    return {"x": x, "word_vectors": word_vectors}


def reference(x, word_vectors):
    # emb = self.embed(x)  -> gather rows of the pretrained table
    emb = jnp.take(word_vectors, x, axis=0)
    # F.dropout(emb, drop_prob, self.training): identity in eval mode
    return emb

if __name__ == "__main__":
    import jax
    _d = setup_inputs()
    print(jax.jit(kernel)(*tuple(_d.values())))

</pallas_src>

<mosaic_0001>
#map = affine_map<(d0, d1) -> (0)>
#map1 = affine_map<(d0, d1) -> (0, 0)>
module attributes {stable_mosaic.version = 14 : i64} {
  func.func @_gather_kernel(%arg0: i32, %arg1: i32, %arg2: memref<819200xi32, #tpu.memory_space<hbm>>, %arg3: memref<100000x128xf32, #tpu.memory_space<hbm>>, %arg4: memref<819200x128xf32, #tpu.memory_space<hbm>>, %arg5: memref<25600xi32, #tpu.memory_space<vmem>>, %arg6: memref<5x128x128xf32, #tpu.memory_space<vmem>>, %arg7: memref<!tpu.dma_semaphore, #tpu.memory_space<semaphore_mem>>, %arg8: memref<5x!tpu.dma_semaphore, #tpu.memory_space<semaphore_mem>>, %arg9: memref<5x!tpu.dma_semaphore, #tpu.memory_space<semaphore_mem>>) attributes {dimension_semantics = [#tpu.dimension_semantics<core_parallel>, #tpu.dimension_semantics<subcore_parallel>], iteration_bounds = array<i64: 2, 16>, scalar_prefetch = 0 : i64, scratch_operands = 5 : i64, tpu.core_type = #tpu.core_type<sc_vector_subcore>, window_params = [{transform_indices = #map}, {transform_indices = #map1}, {transform_indices = #map1}]} {
    %mul3A = arith.constant 2 : i32
    %mul3A_0 = arith.muli %arg1, %mul3A : i32
    %add3A = arith.addi %mul3A_0, %arg0 : i32
    %mul3A_1 = arith.constant 25600 : i32
    %mul3A_2 = arith.muli %add3A, %mul3A_1 : i32
    %dma_start3A = tpu.memref_slice %arg2[%mul3A_2] : memref<819200xi32, #tpu.memory_space<hbm>> -> memref<25600xi32, #tpu.memory_space<hbm>>
    %dma_start3A_3 = tpu.memref_slice %arg2[%mul3A_2] : memref<819200xi32, #tpu.memory_space<hbm>> -> memref<25600xi32, #tpu.memory_space<hbm>>
    tpu.enqueue_dma source(%dma_start3A_3 : memref<25600xi32, #tpu.memory_space<hbm>>) target(%arg5 : memref<25600xi32, #tpu.memory_space<vmem>>) target_semaphore(%arg7 : memref<!tpu.dma_semaphore, #tpu.memory_space<semaphore_mem>>)
    %dma_wait3A = tpu.memref_slice %arg2[%mul3A_2] : memref<819200xi32, #tpu.memory_space<hbm>> -> memref<25600xi32, #tpu.memory_space<hbm>>
    %dma_wait3A_4 = tpu.memref_slice %arg2[%mul3A_2] : memref<819200xi32, #tpu.memory_space<hbm>> -> memref<25600xi32, #tpu.memory_space<hbm>>
    tpu.wait_dma2 semaphore(%arg7 : memref<!tpu.dma_semaphore, #tpu.memory_space<semaphore_mem>>) src(%dma_wait3A_4 : memref<25600xi32, #tpu.memory_space<hbm>>) dst(%arg5 : memref<25600xi32, #tpu.memory_space<vmem>>)
    %dma_start3A_5 = arith.constant 0 : i32
    %dma_start3A_6 = arith.constant 0 : i32
    %dma_start3A_7 = arith.constant 0 : i32
    %dma_start3A_8 = arith.constant 0 : i32
    %dma_start3A_9 = tpu.memref_slice %arg6[%dma_start3A_5, %dma_start3A_7, %dma_start3A_8] : memref<5x128x128xf32, #tpu.memory_space<vmem>> -> memref<1x128x128xf32, #tpu.memory_space<vmem>>
    %dma_start3A_10 = tpu.memref_squeeze %dma_start3A_9 : memref<1x128x128xf32, #tpu.memory_space<vmem>> -> memref<128x128xf32, #tpu.memory_space<vmem>>
    %dma_start3A_11 = arith.constant 0 : i32
    %dma_start3A_12 = tpu.memref_slice %arg5[%dma_start3A_11] : memref<25600xi32, #tpu.memory_space<vmem>> -> memref<128xi32, #tpu.memory_space<vmem>>
    %dma_start3A_13 = arith.constant 0 : i32
    %dma_start3A_14 = arith.constant 0 : i32
    %dma_start3A_15 = tpu.memref_slice %arg3[%dma_start3A_13, %dma_start3A_14] : memref<100000x128xf32, #tpu.memory_space<hbm>> -> memref<100000x128xf32, #tpu.memory_space<hbm>>
    %dma_start3A_16 = tpu.memref_slice %arg8[%dma_start3A_6] : memref<5x!tpu.dma_semaphore, #tpu.memory_space<semaphore_mem>> -> memref<1x!tpu.dma_semaphore, #tpu.memory_space<semaphore_mem>>
    %dma_start3A_17 = tpu.memref_squeeze %dma_start3A_16 : memref<1x!tpu.dma_semaphore, #tpu.memory_space<semaphore_mem>> -> memref<!tpu.dma_semaphore, #tpu.memory_space<semaphore_mem>>
    tpu.enqueue_indirect_dma source(%dma_start3A_15 : memref<100000x128xf32, #tpu.memory_space<hbm>>) target(%dma_start3A_10 : memref<128x128xf32, #tpu.memory_space<vmem>>) offsets(%dma_start3A_12 : memref<128xi32, #tpu.memory_space<vmem>>) semaphore(%dma_start3A_17 : memref<!tpu.dma_semaphore, #tpu.memory_space<semaphore_mem>>)
    %dma_start3A_18 = arith.constant 1 : i32
    %dma_start3A_19 = arith.constant 1 : i32
    %dma_start3A_20 = arith.constant 0 : i32
    %dma_start3A_21 = arith.constant 0 : i32
    %dma_start3A_22 = tpu.memref_slice %arg6[%dma_start3A_18, %dma_start3A_20, %dma_start3A_21] : memref<5x128x128xf32, #tpu.memory_space<vmem>> -> memref<1x128x128xf32, #tpu.memory_space<vmem>>
    %dma_start3A_23 = tpu.memref_squeeze %dma_start3A_22 : memref<1x128x128xf32, #tpu.memory_space<vmem>> -> memref<128x128xf32, #tpu.memory_space<vmem>>
    %dma_start3A_24 = arith.constant 128 : i32
    %dma_start3A_25 = tpu.memref_slice %arg5[%dma_start3A_24] : memref<25600xi32, #tpu.memory_space<vmem>> -> memref<128xi32, #tpu.memory_space<vmem>>
    %dma_start3A_26 = arith.constant 0 : i32
    %dma_start3A_27 = arith.constant 0 : i32
    %dma_start3A_28 = tpu.memref_slice %arg3[%dma_start3A_26, %dma_start3A_27] : memref<100000x128xf32, #tpu.memory_space<hbm>> -> memref<100000x128xf32, #tpu.memory_space<hbm>>
    %dma_start3A_29 = tpu.memref_slice %arg8[%dma_start3A_19] : memref<5x!tpu.dma_semaphore, #tpu.memory_space<semaphore_mem>> -> memref<1x!tpu.dma_semaphore, #tpu.memory_space<semaphore_mem>>
    %dma_start3A_30 = tpu.memref_squeeze %dma_start3A_29 : memref<1x!tpu.dma_semaphore, #tpu.memory_space<semaphore_mem>> -> memref<!tpu.dma_semaphore, #tpu.memory_space<semaphore_mem>>
    tpu.enqueue_indirect_dma source(%dma_start3A_28 : memref<100000x128xf32, #tpu.memory_space<hbm>>) target(%dma_start3A_23 : memref<128x128xf32, #tpu.memory_space<vmem>>) offsets(%dma_start3A_25 : memref<128xi32, #tpu.memory_space<vmem>>) semaphore(%dma_start3A_30 : memref<!tpu.dma_semaphore, #tpu.memory_space<semaphore_mem>>)
    %dma_wait3A_31 = arith.constant 0 : i32
    %dma_wait3A_32 = arith.constant 0 : i32
    %dma_wait3A_33 = arith.constant 0 : i32
    %dma_wait3A_34 = arith.constant 0 : i32
    %dma_wait3A_35 = tpu.memref_slice %arg6[%dma_wait3A_31, %dma_wait3A_33, %dma_wait3A_34] : memref<5x128x128xf32, #tpu.memory_space<vmem>> -> memref<1x128x128xf32, #tpu.memory_space<vmem>>
    %dma_wait3A_36 = tpu.memref_squeeze %dma_wait3A_35 : memref<1x128x128xf32, #tpu.memory_space<vmem>> -> memref<128x128xf32, #tpu.memory_space<vmem>>
    %dma_wait3A_37 = arith.constant 0 : i32
    %dma_wait3A_38 = tpu.memref_slice %arg5[%dma_wait3A_37] : memref<25600xi32, #tpu.memory_space<vmem>> -> memref<128xi32, #tpu.memory_space<vmem>>
    %dma_wait3A_39 = arith.constant 0 : i32
    %dma_wait3A_40 = arith.constant 0 : i32
    %dma_wait3A_41 = tpu.memref_slice %arg3[%dma_wait3A_39, %dma_wait3A_40] : memref<100000x128xf32, #tpu.memory_space<hbm>> -> memref<100000x128xf32, #tpu.memory_space<hbm>>
    %dma_wait3A_42 = tpu.memref_slice %arg8[%dma_wait3A_32] : memref<5x!tpu.dma_semaphore, #tpu.memory_space<semaphore_mem>> -> memref<1x!tpu.dma_semaphore, #tpu.memory_space<semaphore_mem>>
    %dma_wait3A_43 = tpu.memref_squeeze %dma_wait3A_42 : memref<1x!tpu.dma_semaphore, #tpu.memory_space<semaphore_mem>> -> memref<!tpu.dma_semaphore, #tpu.memory_space<semaphore_mem>>
    tpu.wait_indirect_dma semaphore(%dma_wait3A_43 : memref<!tpu.dma_semaphore, #tpu.memory_space<semaphore_mem>>) src(%dma_wait3A_41 : memref<100000x128xf32, #tpu.memory_space<hbm>>) dst(%dma_wait3A_36 : memref<128x128xf32, #tpu.memory_space<vmem>>)
    %add3A_44 = arith.constant 0 : i32
    %add3A_45 = arith.addi %mul3A_2, %add3A_44 : i32
    %dma_start3A_46 = arith.constant 0 : i32
    %dma_start3A_47 = arith.constant 0 : i32
    %dma_start3A_48 = arith.constant 0 : i32
    %dma_start3A_49 = arith.constant 0 : i32
    %dma_start3A_50 = tpu.memref_slice %arg6[%dma_start3A_46, %dma_start3A_48, %dma_start3A_49] : memref<5x128x128xf32, #tpu.memory_space<vmem>> -> memref<1x128x128xf32, #tpu.memory_space<vmem>>
    %dma_start3A_51 = tpu.memref_squeeze %dma_start3A_50 : memref<1x128x128xf32, #tpu.memory_space<vmem>> -> memref<128x128xf32, #tpu.memory_space<vmem>>
    %dma_start3A_52 = arith.constant 0 : i32
    %dma_start3A_53 = tpu.memref_slice %arg4[%add3A_45, %dma_start3A_52] : memref<819200x128xf32, #tpu.memory_space<hbm>> -> memref<128x128xf32, #tpu.memory_space<hbm>>
    %dma_start3A_54 = tpu.memref_slice %arg9[%dma_start3A_47] : memref<5x!tpu.dma_semaphore, #tpu.memory_space<semaphore_mem>> -> memref<1x!tpu.dma_semaphore, #tpu.memory_space<semaphore_mem>>
    %dma_start3A_55 = tpu.memref_squeeze %dma_start3A_54 : memref<1x!tpu.dma_semaphore, #tpu.memory_space<semaphore_mem>> -> memref<!tpu.dma_semaphore, #tpu.memory_space<semaphore_mem>>
    %dma_start3A_56 = arith.constant 0 : i32
    %dma_start3A_57 = tpu.memref_slice %arg4[%add3A_45, %dma_start3A_56] : memref<819200x128xf32, #tpu.memory_space<hbm>> -> memref<128x128xf32, #tpu.memory_space<hbm>>
    %dma_start3A_58 = arith.constant 0 : i32
    %dma_start3A_59 = arith.constant 0 : i32
    %dma_start3A_60 = tpu.memref_slice %arg6[%dma_start3A_46, %dma_start3A_58, %dma_start3A_59] : memref<5x128x128xf32, #tpu.memory_space<vmem>> -> memref<1x128x128xf32, #tpu.memory_space<vmem>>
    %dma_start3A_61 = tpu.memref_squeeze %dma_start3A_60 : memref<1x128x128xf32, #tpu.memory_space<vmem>> -> memref<128x128xf32, #tpu.memory_space<vmem>>
    tpu.enqueue_dma source(%dma_start3A_61 : memref<128x128xf32, #tpu.memory_space<vmem>>) target(%dma_start3A_57 : memref<128x128xf32, #tpu.memory_space<hbm>>) target_semaphore(%dma_start3A_55 : memref<!tpu.dma_semaphore, #tpu.memory_space<semaphore_mem>>)
    %dma_start3A_62 = arith.constant 2 : i32
    %dma_start3A_63 = arith.constant 2 : i32
    %dma_start3A_64 = arith.constant 0 : i32
    %dma_start3A_65 = arith.constant 0 : i32
    %dma_start3A_66 = tpu.memref_slice %arg6[%dma_start3A_62, %dma_start3A_64, %dma_start3A_65] : memref<5x128x128xf32, #tpu.memory_space<vmem>> -> memref<1x128x128xf32, #tpu.memory_space<vmem>>
    %dma_start3A_67 = tpu.memref_squeeze %dma_start3A_66 : memref<1x128x128xf32, #tpu.memory_space<vmem>> -> memref<128x128xf32, #tpu.memory_space<vmem>>
    %dma_start3A_68 = arith.constant 256 : i32
    %dma_start3A_69 = tpu.memref_slice %arg5[%dma_start3A_68] : memref<25600xi32, #tpu.memory_space<vmem>> -> memref<128xi32, #tpu.memory_space<vmem>>
    %dma_start3A_70 = arith.constant 0 : i32
    %dma_start3A_71 = arith.constant 0 : i32
    %dma_start3A_72 = tpu.memref_slice %arg3[%dma_start3A_70, %dma_start3A_71] : memref<100000x128xf32, #tpu.memory_space<hbm>> -> memref<100000x128xf32, #tpu.memory_space<hbm>>
    %dma_start3A_73 = tpu.memref_slice %arg8[%dma_start3A_63] : memref<5x!tpu.dma_semaphore, #tpu.memory_space<semaphore_mem>> -> memref<1x!tpu.dma_semaphore, #tpu.memory_space<semaphore_mem>>
    %dma_start3A_74 = tpu.memref_squeeze %dma_start3A_73 : memref<1x!tpu.dma_semaphore, #tpu.memory_space<semaphore_mem>> -> memref<!tpu.dma_semaphore, #tpu.memory_space<semaphore_mem>>
    tpu.enqueue_indirect_dma source(%dma_start3A_72 : memref<100000x128xf32, #tpu.memory_space<hbm>>) target(%dma_start3A_67 : memref<128x128xf32, #tpu.memory_space<vmem>>) offsets(%dma_start3A_69 : memref<128xi32, #tpu.memory_space<vmem>>) semaphore(%dma_start3A_74 : memref<!tpu.dma_semaphore, #tpu.memory_space<semaphore_mem>>)
    %dma_wait3A_75 = arith.constant 1 : i32
    %dma_wait3A_76 = arith.constant 1 : i32
    %dma_wait3A_77 = arith.constant 0 : i32
    %dma_wait3A_78 = arith.constant 0 : i32
    %dma_wait3A_79 = tpu.memref_slice %arg6[%dma_wait3A_75, %dma_wait3A_77, %dma_wait3A_78] : memref<5x128x128xf32, #tpu.memory_space<vmem>> -> memref<1x128x128xf32, #tpu.memory_space<vmem>>
    %dma_wait3A_80 = tpu.memref_squeeze %dma_wait3A_79 : memref<1x128x128xf32, #tpu.memory_space<vmem>> -> memref<128x128xf32, #tpu.memory_space<vmem>>
    %dma_wait3A_81 = arith.constant 128 : i32
    %dma_wait3A_82 = tpu.memref_slice %arg5[%dma_wait3A_81] : memref<25600xi32, #tpu.memory_space<vmem>> -> memref<128xi32, #tpu.memory_space<vmem>>
    %dma_wait3A_83 = arith.constant 0 : i32
    %dma_wait3A_84 = arith.constant 0 : i32
    %dma_wait3A_85 = tpu.memref_slice %arg3[%dma_wait3A_83, %dma_wait3A_84] : memref<100000x128xf32, #tpu.memory_space<hbm>> -> memref<100000x128xf32, #tpu.memory_space<hbm>>
    %dma_wait3A_86 = tpu.memref_slice %arg8[%dma_wait3A_76] : memref<5x!tpu.dma_semaphore, #tpu.memory_space<semaphore_mem>> -> memref<1x!tpu.dma_semaphore, #tpu.memory_space<semaphore_mem>>
    %dma_wait3A_87 = tpu.memref_squeeze %dma_wait3A_86 : memref<1x!tpu.dma_semaphore, #tpu.memory_space<semaphore_mem>> -> memref<!tpu.dma_semaphore, #tpu.memory_space<semaphore_mem>>
    tpu.wait_indirect_dma semaphore(%dma_wait3A_87 : memref<!tpu.dma_semaphore, #tpu.memory_space<semaphore_mem>>) src(%dma_wait3A_85 : memref<100000x128xf32, #tpu.memory_space<hbm>>) dst(%dma_wait3A_80 : memref<128x128xf32, #tpu.memory_space<vmem>>)
    %add3A_88 = arith.constant 128 : i32
    %add3A_89 = arith.addi %mul3A_2, %add3A_88 : i32
    %dma_start3A_90 = arith.constant 1 : i32
    %dma_start3A_91 = arith.constant 1 : i32
    %dma_start3A_92 = arith.constant 0 : i32
    %dma_start3A_93 = arith.constant 0 : i32
    %dma_start3A_94 = tpu.memref_slice %arg6[%dma_start3A_90, %dma_start3A_92, %dma_start3A_93] : memref<5x128x128xf32, #tpu.memory_space<vmem>> -> memref<1x128x128xf32, #tpu.memory_space<vmem>>
    %dma_start3A_95 = tpu.memref_squeeze %dma_start3A_94 : memref<1x128x128xf32, #tpu.memory_space<vmem>> -> memref<128x128xf32, #tpu.memory_space<vmem>>
    %dma_start3A_96 = arith.constant 0 : i32
    %dma_start3A_97 = tpu.memref_slice %arg4[%add3A_89, %dma_start3A_96] : memref<819200x128xf32, #tpu.memory_space<hbm>> -> memref<128x128xf32, #tpu.memory_space<hbm>>
    %dma_start3A_98 = tpu.memref_slice %arg9[%dma_start3A_91] : memref<5x!tpu.dma_semaphore, #tpu.memory_space<semaphore_mem>> -> memref<1x!tpu.dma_semaphore, #tpu.memory_space<semaphore_mem>>
    %dma_start3A_99 = tpu.memref_squeeze %dma_start3A_98 : memref<1x!tpu.dma_semaphore, #tpu.memory_space<semaphore_mem>> -> memref<!tpu.dma_semaphore, #tpu.memory_space<semaphore_mem>>
    %dma_start3A_100 = arith.constant 0 : i32
    %dma_start3A_101 = tpu.memref_slice %arg4[%add3A_89, %dma_start3A_100] : memref<819200x128xf32, #tpu.memory_space<hbm>> -> memref<128x128xf32, #tpu.memory_space<hbm>>
    %dma_start3A_102 = arith.constant 0 : i32
    %dma_start3A_103 = arith.constant 0 : i32
    %dma_start3A_104 = tpu.memref_slice %arg6[%dma_start3A_90, %dma_start3A_102, %dma_start3A_103] : memref<5x128x128xf32, #tpu.memory_space<vmem>> -> memref<1x128x128xf32, #tpu.memory_space<vmem>>
    %dma_start3A_105 = tpu.memref_squeeze %dma_start3A_104 : memref<1x128x128xf32, #tpu.memory_space<vmem>> -> memref<128x128xf32, #tpu.memory_space<vmem>>
    tpu.enqueue_dma source(%dma_start3A_105 : memref<128x128xf32, #tpu.memory_space<vmem>>) target(%dma_start3A_101 : memref<128x128xf32, #tpu.memory_space<hbm>>) target_semaphore(%dma_start3A_99 : memref<!tpu.dma_semaphore, #tpu.memory_space<semaphore_mem>>)
    %dma_start3A_106 = arith.constant 3 : i32
    %dma_start3A_107 = arith.constant 3 : i32
    %dma_start3A_108 = arith.constant 0 : i32
    %dma_start3A_109 = arith.constant 0 : i32
    %dma_start3A_110 = tpu.memref_slice %arg6[%dma_start3A_106, %dma_start3A_108, %dma_start3A_109] : memref<5x128x128xf32, #tpu.memory_space<vmem>> -> memref<1x128x128xf32, #tpu.memory_space<vmem>>
    %dma_start3A_111 = tpu.memref_squeeze %dma_start3A_110 : memref<1x128x128xf32, #tpu.memory_space<vmem>> -> memref<128x128xf32, #tpu.memory_space<vmem>>
    %dma_start3A_112 = arith.constant 384 : i32
    %dma_start3A_113 = tpu.memref_slice %arg5[%dma_start3A_112] : memref<25600xi32, #tpu.memory_space<vmem>> -> memref<128xi32, #tpu.memory_space<vmem>>
    %dma_start3A_114 = arith.constant 0 : i32
    %dma_start3A_115 = arith.constant 0 : i32
    %dma_start3A_116 = tpu.memref_slice %arg3[%dma_start3A_114, %dma_start3A_115] : memref<100000x128xf32, #tpu.memory_space<hbm>> -> memref<100000x128xf32, #tpu.memory_space<hbm>>
    %dma_start3A_117 = tpu.memref_slice %arg8[%dma_start3A_107] : memref<5x!tpu.dma_semaphore, #tpu.memory_space<semaphore_mem>> -> memref<1x!tpu.dma_semaphore, #tpu.memory_space<semaphore_mem>>
    %dma_start3A_118 = tpu.memref_squeeze %dma_start3A_117 : memref<1x!tpu.dma_semaphore, #tpu.memory_space<semaphore_mem>> -> memref<!tpu.dma_semaphore, #tpu.memory_space<semaphore_mem>>
    tpu.enqueue_indirect_dma source(%dma_start3A_116 : memref<100000x128xf32, #tpu.memory_space<hbm>>) target(%dma_start3A_111 : memref<128x128xf32, #tpu.memory_space<vmem>>) offsets(%dma_start3A_113 : memref<128xi32, #tpu.memory_space<vmem>>) semaphore(%dma_start3A_118 : memref<!tpu.dma_semaphore, #tpu.memory_space<semaphore_mem>>)
    %dma_wait3A_119 = arith.constant 2 : i32
    %dma_wait3A_120 = arith.constant 2 : i32
    %dma_wait3A_121 = arith.constant 0 : i32
    %dma_wait3A_122 = arith.constant 0 : i32
    %dma_wait3A_123 = tpu.memref_slice %arg6[%dma_wait3A_119, %dma_wait3A_121, %dma_wait3A_122] : memref<5x128x128xf32, #tpu.memory_space<vmem>> -> memref<1x128x128xf32, #tpu.memory_space<vmem>>
    %dma_wait3A_124 = tpu.memref_squeeze %dma_wait3A_123 : memref<1x128x128xf32, #tpu.memory_space<vmem>> -> memref<128x128xf32, #tpu.memory_space<vmem>>
    %dma_wait3A_125 = arith.constant 256 : i32
    %dma_wait3A_126 = tpu.memref_slice %arg5[%dma_wait3A_125] : memref<25600xi32, #tpu.memory_space<vmem>> -> memref<128xi32, #tpu.memory_space<vmem>>
    %dma_wait3A_127 = arith.constant 0 : i32
    %dma_wait3A_128 = arith.constant 0 : i32
    %dma_wait3A_129 = tpu.memref_slice %arg3[%dma_wait3A_127, %dma_wait3A_128] : memref<100000x128xf32, #tpu.memory_space<hbm>> -> memref<100000x128xf32, #tpu.memory_space<hbm>>
    %dma_wait3A_130 = tpu.memref_slice %arg8[%dma_wait3A_120] : memref<5x!tpu.dma_semaphore, #tpu.memory_space<semaphore_mem>> -> memref<1x!tpu.dma_semaphore, #tpu.memory_space<semaphore_mem>>
    %dma_wait3A_131 = tpu.memref_squeeze %dma_wait3A_130 : memref<1x!tpu.dma_semaphore, #tpu.memory_space<semaphore_mem>> -> memref<!tpu.dma_semaphore, #tpu.memory_space<semaphore_mem>>
    tpu.wait_indirect_dma semaphore(%dma_wait3A_131 : memref<!tpu.dma_semaphore, #tpu.memory_space<semaphore_mem>>) src(%dma_wait3A_129 : memref<100000x128xf32, #tpu.memory_space<hbm>>) dst(%dma_wait3A_124 : memref<128x128xf32, #tpu.memory_space<vmem>>)
    %add3A_132 = arith.constant 256 : i32
    %add3A_133 = arith.addi %mul3A_2, %add3A_132 : i32
    %dma_start3A_134 = arith.constant 2 : i32
    %dma_start3A_135 = arith.constant 2 : i32
    %dma_start3A_136 = arith.constant 0 : i32
    %dma_start3A_137 = arith.constant 0 : i32
    %dma_start3A_138 = tpu.memref_slice %arg6[%dma_start3A_134, %dma_start3A_136, %dma_start3A_137] : memref<5x128x128xf32, #tpu.memory_space<vmem>> -> memref<1x128x128xf32, #tpu.memory_space<vmem>>
    %dma_start3A_139 = tpu.memref_squeeze %dma_start3A_138 : memref<1x128x128xf32, #tpu.memory_space<vmem>> -> memref<128x128xf32, #tpu.memory_space<vmem>>
    %dma_start3A_140 = arith.constant 0 : i32
    %dma_start3A_141 = tpu.memref_slice %arg4[%add3A_133, %dma_start3A_140] : memref<819200x128xf32, #tpu.memory_space<hbm>> -> memref<128x128xf32, #tpu.memory_space<hbm>>
    %dma_start3A_142 = tpu.memref_slice %arg9[%dma_start3A_135] : memref<5x!tpu.dma_semaphore, #tpu.memory_space<semaphore_mem>> -> memref<1x!tpu.dma_semaphore, #tpu.memory_space<semaphore_mem>>
    %dma_start3A_143 = tpu.memref_squeeze %dma_start3A_142 : memref<1x!tpu.dma_semaphore, #tpu.memory_space<semaphore_mem>> -> memref<!tpu.dma_semaphore, #tpu.memory_space<semaphore_mem>>
    %dma_start3A_144 = arith.constant 0 : i32
    %dma_start3A_145 = tpu.memref_slice %arg4[%add3A_133, %dma_start3A_144] : memref<819200x128xf32, #tpu.memory_space<hbm>> -> memref<128x128xf32, #tpu.memory_space<hbm>>
    %dma_start3A_146 = arith.constant 0 : i32
    %dma_start3A_147 = arith.constant 0 : i32
    %dma_start3A_148 = tpu.memref_slice %arg6[%dma_start3A_134, %dma_start3A_146, %dma_start3A_147] : memref<5x128x128xf32, #tpu.memory_space<vmem>> -> memref<1x128x128xf32, #tpu.memory_space<vmem>>
    %dma_start3A_149 = tpu.memref_squeeze %dma_start3A_148 : memref<1x128x128xf32, #tpu.memory_space<vmem>> -> memref<128x128xf32, #tpu.memory_space<vmem>>
    tpu.enqueue_dma source(%dma_start3A_149 : memref<128x128xf32, #tpu.memory_space<vmem>>) target(%dma_start3A_145 : memref<128x128xf32, #tpu.memory_space<hbm>>) target_semaphore(%dma_start3A_143 : memref<!tpu.dma_semaphore, #tpu.memory_space<semaphore_mem>>)
    %dma_start3A_150 = arith.constant 4 : i32
    %dma_start3A_151 = arith.constant 4 : i32
    %dma_start3A_152 = arith.constant 0 : i32
    %dma_start3A_153 = arith.constant 0 : i32
    %dma_start3A_154 = tpu.memref_slice %arg6[%dma_start3A_150, %dma_start3A_152, %dma_start3A_153] : memref<5x128x128xf32, #tpu.memory_space<vmem>> -> memref<1x128x128xf32, #tpu.memory_space<vmem>>
    %dma_start3A_155 = tpu.memref_squeeze %dma_start3A_154 : memref<1x128x128xf32, #tpu.memory_space<vmem>> -> memref<128x128xf32, #tpu.memory_space<vmem>>
    %dma_start3A_156 = arith.constant 512 : i32
    %dma_start3A_157 = tpu.memref_slice %arg5[%dma_start3A_156] : memref<25600xi32, #tpu.memory_space<vmem>> -> memref<128xi32, #tpu.memory_space<vmem>>
    %dma_start3A_158 = arith.constant 0 : i32
    %dma_start3A_159 = arith.constant 0 : i32
    %dma_start3A_160 = tpu.memref_slice %arg3[%dma_start3A_158, %dma_start3A_159] : memref<100000x128xf32, #tpu.memory_space<hbm>> -> memref<100000x128xf32, #tpu.memory_space<hbm>>
    %dma_start3A_161 = tpu.memref_slice %arg8[%dma_start3A_151] : memref<5x!tpu.dma_semaphore, #tpu.memory_space<semaphore_mem>> -> memref<1x!tpu.dma_semaphore, #tpu.memory_space<semaphore_mem>>
    %dma_start3A_162 = tpu.memref_squeeze %dma_start3A_161 : memref<1x!tpu.dma_semaphore, #tpu.memory_space<semaphore_mem>> -> memref<!tpu.dma_semaphore, #tpu.memory_space<semaphore_mem>>
    tpu.enqueue_indirect_dma source(%dma_start3A_160 : memref<100000x128xf32, #tpu.memory_space<hbm>>) target(%dma_start3A_155 : memref<128x128xf32, #tpu.memory_space<vmem>>) offsets(%dma_start3A_157 : memref<128xi32, #tpu.memory_space<vmem>>) semaphore(%dma_start3A_162 : memref<!tpu.dma_semaphore, #tpu.memory_space<semaphore_mem>>)
    %dma_wait3A_163 = arith.constant 3 : i32
    %dma_wait3A_164 = arith.constant 3 : i32
    %dma_wait3A_165 = arith.constant 0 : i32
    %dma_wait3A_166 = arith.constant 0 : i32
    %dma_wait3A_167 = tpu.memref_slice %arg6[%dma_wait3A_163, %dma_wait3A_165, %dma_wait3A_166] : memref<5x128x128xf32, #tpu.memory_space<vmem>> -> memref<1x128x128xf32, #tpu.memory_space<vmem>>
    %dma_wait3A_168 = tpu.memref_squeeze %dma_wait3A_167 : memref<1x128x128xf32, #tpu.memory_space<vmem>> -> memref<128x128xf32, #tpu.memory_space<vmem>>
    %dma_wait3A_169 = arith.constant 384 : i32
    %dma_wait3A_170 = tpu.memref_slice %arg5[%dma_wait3A_169] : memref<25600xi32, #tpu.memory_space<vmem>> -> memref<128xi32, #tpu.memory_space<vmem>>
    %dma_wait3A_171 = arith.constant 0 : i32
    %dma_wait3A_172 = arith.constant 0 : i32
    %dma_wait3A_173 = tpu.memref_slice %arg3[%dma_wait3A_171, %dma_wait3A_172] : memref<100000x128xf32, #tpu.memory_space<hbm>> -> memref<100000x128xf32, #tpu.memory_space<hbm>>
    %dma_wait3A_174 = tpu.memref_slice %arg8[%dma_wait3A_164] : memref<5x!tpu.dma_semaphore, #tpu.memory_space<semaphore_mem>> -> memref<1x!tpu.dma_semaphore, #tpu.memory_space<semaphore_mem>>
    %dma_wait3A_175 = tpu.memref_squeeze %dma_wait3A_174 : memref<1x!tpu.dma_semaphore, #tpu.memory_space<semaphore_mem>> -> memref<!tpu.dma_semaphore, #tpu.memory_space<semaphore_mem>>
    tpu.wait_indirect_dma semaphore(%dma_wait3A_175 : memref<!tpu.dma_semaphore, #tpu.memory_space<semaphore_mem>>) src(%dma_wait3A_173 : memref<100000x128xf32, #tpu.memory_space<hbm>>) dst(%dma_wait3A_168 : memref<128x128xf32, #tpu.memory_space<vmem>>)
    %add3A_176 = arith.constant 384 : i32
    %add3A_177 = arith.addi %mul3A_2, %add3A_176 : i32
    %dma_start3A_178 = arith.constant 3 : i32
    %dma_start3A_179 = arith.constant 3 : i32
    %dma_start3A_180 = arith.constant 0 : i32
    %dma_start3A_181 = arith.constant 0 : i32
    %dma_start3A_182 = tpu.memref_slice %arg6[%dma_start3A_178, %dma_start3A_180, %dma_start3A_181] : memref<5x128x128xf32, #tpu.memory_space<vmem>> -> memref<1x128x128xf32, #tpu.memory_space<vmem>>
    %dma_start3A_183 = tpu.memref_squeeze %dma_start3A_182 : memref<1x128x128xf32, #tpu.memory_space<vmem>> -> memref<128x128xf32, #tpu.memory_space<vmem>>
    %dma_start3A_184 = arith.constant 0 : i32
    %dma_start3A_185 = tpu.memref_slice %arg4[%add3A_177, %dma_start3A_184] : memref<819200x128xf32, #tpu.memory_space<hbm>> -> memref<128x128xf32, #tpu.memory_space<hbm>>
    %dma_start3A_186 = tpu.memref_slice %arg9[%dma_start3A_179] : memref<5x!tpu.dma_semaphore, #tpu.memory_space<semaphore_mem>> -> memref<1x!tpu.dma_semaphore, #tpu.memory_space<semaphore_mem>>
    %dma_start3A_187 = tpu.memref_squeeze %dma_start3A_186 : memref<1x!tpu.dma_semaphore, #tpu.memory_space<semaphore_mem>> -> memref<!tpu.dma_semaphore, #tpu.memory_space<semaphore_mem>>
    %dma_start3A_188 = arith.constant 0 : i32
    %dma_start3A_189 = tpu.memref_slice %arg4[%add3A_177, %dma_start3A_188] : memref<819200x128xf32, #tpu.memory_space<hbm>> -> memref<128x128xf32, #tpu.memory_space<hbm>>
    %dma_start3A_190 = arith.constant 0 : i32
    %dma_start3A_191 = arith.constant 0 : i32
    %dma_start3A_192 = tpu.memref_slice %arg6[%dma_start3A_178, %dma_start3A_190, %dma_start3A_191] : memref<5x128x128xf32, #tpu.memory_space<vmem>> -> memref<1x128x128xf32, #tpu.memory_space<vmem>>
    %dma_start3A_193 = tpu.memref_squeeze %dma_start3A_192 : memref<1x128x128xf32, #tpu.memory_space<vmem>> -> memref<128x128xf32, #tpu.memory_space<vmem>>
    tpu.enqueue_dma source(%dma_start3A_193 : memref<128x128xf32, #tpu.memory_space<vmem>>) target(%dma_start3A_189 : memref<128x128xf32, #tpu.memory_space<hbm>>) target_semaphore(%dma_start3A_187 : memref<!tpu.dma_semaphore, #tpu.memory_space<semaphore_mem>>)
    %add3A_194 = arith.constant 0 : i32
    %add3A_195 = arith.addi %mul3A_2, %add3A_194 : i32
    %dma_wait3A_196 = arith.constant 0 : i32
    %dma_wait3A_197 = arith.constant 0 : i32
    %dma_wait3A_198 = arith.constant 0 : i32
    %dma_wait3A_199 = arith.constant 0 : i32
    %dma_wait3A_200 = tpu.memref_slice %arg6[%dma_wait3A_196, %dma_wait3A_198, %dma_wait3A_199] : memref<5x128x128xf32, #tpu.memory_space<vmem>> -> memref<1x128x128xf32, #tpu.memory_space<vmem>>
    %dma_wait3A_201 = tpu.memref_squeeze %dma_wait3A_200 : memref<1x128x128xf32, #tpu.memory_space<vmem>> -> memref<128x128xf32, #tpu.memory_space<vmem>>
    %dma_wait3A_202 = arith.constant 0 : i32
    %dma_wait3A_203 = tpu.memref_slice %arg4[%add3A_195, %dma_wait3A_202] : memref<819200x128xf32, #tpu.memory_space<hbm>> -> memref<128x128xf32, #tpu.memory_space<hbm>>
    %dma_wait3A_204 = tpu.memref_slice %arg9[%dma_wait3A_197] : memref<5x!tpu.dma_semaphore, #tpu.memory_space<semaphore_mem>> -> memref<1x!tpu.dma_semaphore, #tpu.memory_space<semaphore_mem>>
    %dma_wait3A_205 = tpu.memref_squeeze %dma_wait3A_204 : memref<1x!tpu.dma_semaphore, #tpu.memory_space<semaphore_mem>> -> memref<!tpu.dma_semaphore, #tpu.memory_space<semaphore_mem>>
    %dma_wait3A_206 = arith.constant 0 : i32
    %dma_wait3A_207 = tpu.memref_slice %arg4[%add3A_195, %dma_wait3A_206] : memref<819200x128xf32, #tpu.memory_space<hbm>> -> memref<128x128xf32, #tpu.memory_space<hbm>>
    %dma_wait3A_208 = arith.constant 0 : i32
    %dma_wait3A_209 = arith.constant 0 : i32
    %dma_wait3A_210 = tpu.memref_slice %arg6[%dma_wait3A_196, %dma_wait3A_208, %dma_wait3A_209] : memref<5x128x128xf32, #tpu.memory_space<vmem>> -> memref<1x128x128xf32, #tpu.memory_space<vmem>>
    %dma_wait3A_211 = tpu.memref_squeeze %dma_wait3A_210 : memref<1x128x128xf32, #tpu.memory_space<vmem>> -> memref<128x128xf32, #tpu.memory_space<vmem>>
    tpu.wait_dma2 semaphore(%dma_wait3A_205 : memref<!tpu.dma_semaphore, #tpu.memory_space<semaphore_mem>>) src(%dma_wait3A_211 : memref<128x128xf32, #tpu.memory_space<vmem>>) dst(%dma_wait3A_207 : memref<128x128xf32, #tpu.memory_space<hbm>>)
    %dma_start3A_212 = arith.constant 0 : i32
    %dma_start3A_213 = arith.constant 0 : i32
    %dma_start3A_214 = arith.constant 0 : i32
    %dma_start3A_215 = arith.constant 0 : i32
    %dma_start3A_216 = tpu.memref_slice %arg6[%dma_start3A_212, %dma_start3A_214, %dma_start3A_215] : memref<5x128x128xf32, #tpu.memory_space<vmem>> -> memref<1x128x128xf32, #tpu.memory_space<vmem>>
    %dma_start3A_217 = tpu.memref_squeeze %dma_start3A_216 : memref<1x128x128xf32, #tpu.memory_space<vmem>> -> memref<128x128xf32, #tpu.memory_space<vmem>>
    %dma_start3A_218 = arith.constant 640 : i32
    %dma_start3A_219 = tpu.memref_slice %arg5[%dma_start3A_218] : memref<25600xi32, #tpu.memory_space<vmem>> -> memref<128xi32, #tpu.memory_space<vmem>>
    %dma_start3A_220 = arith.constant 0 : i32
    %dma_start3A_221 = arith.constant 0 : i32
    %dma_start3A_222 = tpu.memref_slice %arg3[%dma_start3A_220, %dma_start3A_221] : memref<100000x128xf32, #tpu.memory_space<hbm>> -> memref<100000x128xf32, #tpu.memory_space<hbm>>
    %dma_start3A_223 = tpu.memref_slice %arg8[%dma_start3A_213] : memref<5x!tpu.dma_semaphore, #tpu.memory_space<semaphore_mem>> -> memref<1x!tpu.dma_semaphore, #tpu.memory_space<semaphore_mem>>
    %dma_start3A_224 = tpu.memref_squeeze %dma_start3A_223 : memref<1x!tpu.dma_semaphore, #tpu.memory_space<semaphore_mem>> -> memref<!tpu.dma_semaphore, #tpu.memory_space<semaphore_mem>>
    tpu.enqueue_indirect_dma source(%dma_start3A_222 : memref<100000x128xf32, #tpu.memory_space<hbm>>) target(%dma_start3A_217 : memref<128x128xf32, #tpu.memory_space<vmem>>) offsets(%dma_start3A_219 : memref<128xi32, #tpu.memory_space<vmem>>) semaphore(%dma_start3A_224 : memref<!tpu.dma_semaphore, #tpu.memory_space<semaphore_mem>>)
    %dma_wait3A_225 = arith.constant 4 : i32
    %dma_wait3A_226 = arith.constant 4 : i32
    %dma_wait3A_227 = arith.constant 0 : i32
    %dma_wait3A_228 = arith.constant 0 : i32
    %dma_wait3A_229 = tpu.memref_slice %arg6[%dma_wait3A_225, %dma_wait3A_227, %dma_wait3A_228] : memref<5x128x128xf32, #tpu.memory_space<vmem>> -> memref<1x128x128xf32, #tpu.memory_space<vmem>>
    %dma_wait3A_230 = tpu.memref_squeeze %dma_wait3A_229 : memref<1x128x128xf32, #tpu.memory_space<vmem>> -> memref<128x128xf32, #tpu.memory_space<vmem>>
    %dma_wait3A_231 = arith.constant 512 : i32
    %dma_wait3A_232 = tpu.memref_slice %arg5[%dma_wait3A_231] : memref<25600xi32, #tpu.memory_space<vmem>> -> memref<128xi32, #tpu.memory_space<vmem>>
    %dma_wait3A_233 = arith.constant 0 : i32
    %dma_wait3A_234 = arith.constant 0 : i32
    %dma_wait3A_235 = tpu.memref_slice %arg3[%dma_wait3A_233, %dma_wait3A_234] : memref<100000x128xf32, #tpu.memory_space<hbm>> -> memref<100000x128xf32, #tpu.memory_space<hbm>>
    %dma_wait3A_236 = tpu.memref_slice %arg8[%dma_wait3A_226] : memref<5x!tpu.dma_semaphore, #tpu.memory_space<semaphore_mem>> -> memref<1x!tpu.dma_semaphore, #tpu.memory_space<semaphore_mem>>
    %dma_wait3A_237 = tpu.memref_squeeze %dma_wait3A_236 : memref<1x!tpu.dma_semaphore, #tpu.memory_space<semaphore_mem>> -> memref<!tpu.dma_semaphore, #tpu.memory_space<semaphore_mem>>
    tpu.wait_indirect_dma semaphore(%dma_wait3A_237 : memref<!tpu.dma_semaphore, #tpu.memory_space<semaphore_mem>>) src(%dma_wait3A_235 : memref<100000x128xf32, #tpu.memory_space<hbm>>) dst(%dma_wait3A_230 : memref<128x128xf32, #tpu.memory_space<vmem>>)
    %add3A_238 = arith.constant 512 : i32
    %add3A_239 = arith.addi %mul3A_2, %add3A_238 : i32
    %dma_start3A_240 = arith.constant 4 : i32
    %dma_start3A_241 = arith.constant 4 : i32
    %dma_start3A_242 = arith.constant 0 : i32
    %dma_start3A_243 = arith.constant 0 : i32
    %dma_start3A_244 = tpu.memref_slice %arg6[%dma_start3A_240, %dma_start3A_242, %dma_start3A_243] : memref<5x128x128xf32, #tpu.memory_space<vmem>> -> memref<1x128x128xf32, #tpu.memory_space<vmem>>
    %dma_start3A_245 = tpu.memref_squeeze %dma_start3A_244 : memref<1x128x128xf32, #tpu.memory_space<vmem>> -> memref<128x128xf32, #tpu.memory_space<vmem>>
    %dma_start3A_246 = arith.constant 0 : i32
    %dma_start3A_247 = tpu.memref_slice %arg4[%add3A_239, %dma_start3A_246] : memref<819200x128xf32, #tpu.memory_space<hbm>> -> memref<128x128xf32, #tpu.memory_space<hbm>>
    %dma_start3A_248 = tpu.memref_slice %arg9[%dma_start3A_241] : memref<5x!tpu.dma_semaphore, #tpu.memory_space<semaphore_mem>> -> memref<1x!tpu.dma_semaphore, #tpu.memory_space<semaphore_mem>>
    %dma_start3A_249 = tpu.memref_squeeze %dma_start3A_248 : memref<1x!tpu.dma_semaphore, #tpu.memory_space<semaphore_mem>> -> memref<!tpu.dma_semaphore, #tpu.memory_space<semaphore_mem>>
    %dma_start3A_250 = arith.constant 0 : i32
    %dma_start3A_251 = tpu.memref_slice %arg4[%add3A_239, %dma_start3A_250] : memref<819200x128xf32, #tpu.memory_space<hbm>> -> memref<128x128xf32, #tpu.memory_space<hbm>>
    %dma_start3A_252 = arith.constant 0 : i32
    %dma_start3A_253 = arith.constant 0 : i32
    %dma_start3A_254 = tpu.memref_slice %arg6[%dma_start3A_240, %dma_start3A_252, %dma_start3A_253] : memref<5x128x128xf32, #tpu.memory_space<vmem>> -> memref<1x128x128xf32, #tpu.memory_space<vmem>>
    %dma_start3A_255 = tpu.memref_squeeze %dma_start3A_254 : memref<1x128x128xf32, #tpu.memory_space<vmem>> -> memref<128x128xf32, #tpu.memory_space<vmem>>
    tpu.enqueue_dma source(%dma_start3A_255 : memref<128x128xf32, #tpu.memory_space<vmem>>) target(%dma_start3A_251 : memref<128x128xf32, #tpu.memory_space<hbm>>) target_semaphore(%dma_start3A_249 : memref<!tpu.dma_semaphore, #tpu.memory_space<semaphore_mem>>)
    %add3A_256 = arith.constant 128 : i32
    %add3A_257 = arith.addi %mul3A_2, %add3A_256 : i32
    %dma_wait3A_258 = arith.constant 1 : i32
    %dma_wait3A_259 = arith.constant 1 : i32
    %dma_wait3A_260 = arith.constant 0 : i32
    %dma_wait3A_261 = arith.constant 0 : i32
    %dma_wait3A_262 = tpu.memref_slice %arg6[%dma_wait3A_258, %dma_wait3A_260, %dma_wait3A_261] : memref<5x128x128xf32, #tpu.memory_space<vmem>> -> memref<1x128x128xf32, #tpu.memory_space<vmem>>
    %dma_wait3A_263 = tpu.memref_squeeze %dma_wait3A_262 : memref<1x128x128xf32, #tpu.memory_space<vmem>> -> memref<128x128xf32, #tpu.memory_space<vmem>>
    %dma_wait3A_264 = arith.constant 0 : i32
    %dma_wait3A_265 = tpu.memref_slice %arg4[%add3A_257, %dma_wait3A_264] : memref<819200x128xf32, #tpu.memory_space<hbm>> -> memref<128x128xf32, #tpu.memory_space<hbm>>
    %dma_wait3A_266 = tpu.memref_slice %arg9[%dma_wait3A_259] : memref<5x!tpu.dma_semaphore, #tpu.memory_space<semaphore_mem>> -> memref<1x!tpu.dma_semaphore, #tpu.memory_space<semaphore_mem>>
    %dma_wait3A_267 = tpu.memref_squeeze %dma_wait3A_266 : memref<1x!tpu.dma_semaphore, #tpu.memory_space<semaphore_mem>> -> memref<!tpu.dma_semaphore, #tpu.memory_space<semaphore_mem>>
    %dma_wait3A_268 = arith.constant 0 : i32
    %dma_wait3A_269 = tpu.memref_slice %arg4[%add3A_257, %dma_wait3A_268] : memref<819200x128xf32, #tpu.memory_space<hbm>> -> memref<128x128xf32, #tpu.memory_space<hbm>>
    %dma_wait3A_270 = arith.constant 0 : i32
    %dma_wait3A_271 = arith.constant 0 : i32
    %dma_wait3A_272 = tpu.memref_slice %arg6[%dma_wait3A_258, %dma_wait3A_270, %dma_wait3A_271] : memref<5x128x128xf32, #tpu.memory_space<vmem>> -> memref<1x128x128xf32, #tpu.memory_space<vmem>>
    %dma_wait3A_273 = tpu.memref_squeeze %dma_wait3A_272 : memref<1x128x128xf32, #tpu.memory_space<vmem>> -> memref<128x128xf32, #tpu.memory_space<vmem>>
    tpu.wait_dma2 semaphore(%dma_wait3A_267 : memref<!tpu.dma_semaphore, #tpu.memory_space<semaphore_mem>>) src(%dma_wait3A_273 : memref<128x128xf32, #tpu.memory_space<vmem>>) dst(%dma_wait3A_269 : memref<128x128xf32, #tpu.memory_space<hbm>>)
    %dma_start3A_274 = arith.constant 1 : i32
    %dma_start3A_275 = arith.constant 1 : i32
    %dma_start3A_276 = arith.constant 0 : i32
    %dma_start3A_277 = arith.constant 0 : i32
    %dma_start3A_278 = tpu.memref_slice %arg6[%dma_start3A_274, %dma_start3A_276, %dma_start3A_277] : memref<5x128x128xf32, #tpu.memory_space<vmem>> -> memref<1x128x128xf32, #tpu.memory_space<vmem>>
    %dma_start3A_279 = tpu.memref_squeeze %dma_start3A_278 : memref<1x128x128xf32, #tpu.memory_space<vmem>> -> memref<128x128xf32, #tpu.memory_space<vmem>>
    %dma_start3A_280 = arith.constant 768 : i32
    %dma_start3A_281 = tpu.memref_slice %arg5[%dma_start3A_280] : memref<25600xi32, #tpu.memory_space<vmem>> -> memref<128xi32, #tpu.memory_space<vmem>>
    %dma_start3A_282 = arith.constant 0 : i32
    %dma_start3A_283 = arith.constant 0 : i32
    %dma_start3A_284 = tpu.memref_slice %arg3[%dma_start3A_282, %dma_start3A_283] : memref<100000x128xf32, #tpu.memory_space<hbm>> -> memref<100000x128xf32, #tpu.memory_space<hbm>>
    %dma_start3A_285 = tpu.memref_slice %arg8[%dma_start3A_275] : memref<5x!tpu.dma_semaphore, #tpu.memory_space<semaphore_mem>> -> memref<1x!tpu.dma_semaphore, #tpu.memory_space<semaphore_mem>>
    %dma_start3A_286 = tpu.memref_squeeze %dma_start3A_285 : memref<1x!tpu.dma_semaphore, #tpu.memory_space<semaphore_mem>> -> memref<!tpu.dma_semaphore, #tpu.memory_space<semaphore_mem>>
    tpu.enqueue_indirect_dma source(%dma_start3A_284 : memref<100000x128xf32, #tpu.memory_space<hbm>>) target(%dma_start3A_279 : memref<128x128xf32, #tpu.memory_space<vmem>>) offsets(%dma_start3A_281 : memref<128xi32, #tpu.memory_space<vmem>>) semaphore(%dma_start3A_286 : memref<!tpu.dma_semaphore, #tpu.memory_space<semaphore_mem>>)
    %scan3A = arith.constant 0 : i32
    %scan3A_287 = arith.constant 1 : i32
    %scan3A_288 = arith.constant 38 : i32
    %scan3A_289 = arith.addi %scan3A_287, %scan3A_288 : i32
    %scan3A_290 = arith.constant 1 : i32
    scf.for %scan3A_630 = %scan3A_287 to %scan3A_289 step %scan3A_290  : i32 {
      %mul3A_631 = arith.constant 5 : i32
      %mul3A_632 = arith.muli %scan3A_630, %mul3A_631 : i32
      %add3A_633 = arith.constant 0 : i32
      %add3A_634 = arith.addi %mul3A_632, %add3A_633 : i32
      %mul3A_635 = arith.constant 128 : i32
      %mul3A_636 = arith.muli %add3A_634, %mul3A_635 : i32
      %dma_wait3A_637 = arith.constant 0 : i32
      %dma_wait3A_638 = arith.constant 0 : i32
      %dma_wait3A_639 = arith.constant 0 : i32
      %dma_wait3A_640 = arith.constant 0 : i32
      %dma_wait3A_641 = tpu.memref_slice %arg6[%dma_wait3A_637, %dma_wait3A_639, %dma_wait3A_640] : memref<5x128x128xf32, #tpu.memory_space<vmem>> -> memref<1x128x128xf32, #tpu.memory_space<vmem>>
      %dma_wait3A_642 = tpu.memref_squeeze %dma_wait3A_641 : memref<1x128x128xf32, #tpu.memory_space<vmem>> -> memref<128x128xf32, #tpu.memory_space<vmem>>
      %dma_wait3A_643 = tpu.memref_slice %arg5[%mul3A_636] : memref<25600xi32, #tpu.memory_space<vmem>> -> memref<128xi32, #tpu.memory_space<vmem>>
      %dma_wait3A_644 = arith.constant 0 : i32
      %dma_wait3A_645 = arith.constant 0 : i32
      %dma_wait3A_646 = tpu.memref_slice %arg3[%dma_wait3A_644, %dma_wait3A_645] : memref<100000x128xf32, #tpu.memory_space<hbm>> -> memref<100000x128xf32, #tpu.memory_space<hbm>>
      %dma_wait3A_647 = tpu.memref_slice %arg8[%dma_wait3A_638] : memref<5x!tpu.dma_semaphore, #tpu.memory_space<semaphore_mem>> -> memref<1x!tpu.dma_semaphore, #tpu.memory_space<semaphore_mem>>
      %dma_wait3A_648 = tpu.memref_squeeze %dma_wait3A_647 : memref<1x!tpu.dma_semaphore, #tpu.memory_space<semaphore_mem>> -> memref<!tpu.dma_semaphore, #tpu.memory_space<semaphore_mem>>
      tpu.wait_indirect_dma semaphore(%dma_wait3A_648 : memref<!tpu.dma_semaphore, #tpu.memory_space<semaphore_mem>>) src(%dma_wait3A_646 : memref<100000x128xf32, #tpu.memory_space<hbm>>) dst(%dma_wait3A_642 : memref<128x128xf32, #tpu.memory_space<vmem>>)
      %mul3A_649 = arith.constant 128 : i32
      %mul3A_650 = arith.muli %add3A_634, %mul3A_649 : i32
      %add3A_651 = arith.addi %mul3A_2, %mul3A_650 : i32
      %dma_start3A_652 = arith.constant 0 : i32
      %dma_start3A_653 = arith.constant 0 : i32
      %dma_start3A_654 = arith.constant 0 : i32
      %dma_start3A_655 = arith.constant 0 : i32
      %dma_start3A_656 = tpu.memref_slice %arg6[%dma_start3A_652, %dma_start3A_654, %dma_start3A_655] : memref<5x128x128xf32, #tpu.memory_space<vmem>> -> memref<1x128x128xf32, #tpu.memory_space<vmem>>
      %dma_start3A_657 = tpu.memref_squeeze %dma_start3A_656 : memref<1x128x128xf32, #tpu.memory_space<vmem>> -> memref<128x128xf32, #tpu.memory_space<vmem>>
      %dma_start3A_658 = arith.constant 0 : i32
      %dma_start3A_659 = tpu.memref_slice %arg4[%add3A_651, %dma_start3A_658] : memref<819200x128xf32, #tpu.memory_space<hbm>> -> memref<128x128xf32, #tpu.memory_space<hbm>>
      %dma_start3A_660 = tpu.memref_slice %arg9[%dma_start3A_653] : memref<5x!tpu.dma_semaphore, #tpu.memory_space<semaphore_mem>> -> memref<1x!tpu.dma_semaphore, #tpu.memory_space<semaphore_mem>>
      %dma_start3A_661 = tpu.memref_squeeze %dma_start3A_660 : memref<1x!tpu.dma_semaphore, #tpu.memory_space<semaphore_mem>> -> memref<!tpu.dma_semaphore, #tpu.memory_space<semaphore_mem>>
      %dma_start3A_662 = arith.constant 0 : i32
      %dma_start3A_663 = tpu.memref_slice %arg4[%add3A_651, %dma_start3A_662] : memref<819200x128xf32, #tpu.memory_space<hbm>> -> memref<128x128xf32, #tpu.memory_space<hbm>>
      %dma_start3A_664 = arith.constant 0 : i32
      %dma_start3A_665 = arith.constant 0 : i32
      %dma_start3A_666 = tpu.memref_slice %arg6[%dma_start3A_652, %dma_start3A_664, %dma_start3A_665] : memref<5x128x128xf32, #tpu.memory_space<vmem>> -> memref<1x128x128xf32, #tpu.memory_space<vmem>>
      %dma_start3A_667 = tpu.memref_squeeze %dma_start3A_666 : memref<1x128x128xf32, #tpu.memory_space<vmem>> -> memref<128x128xf32, #tpu.memory_space<vmem>>
      tpu.enqueue_dma source(%dma_start3A_667 : memref<128x128xf32, #tpu.memory_space<vmem>>) target(%dma_start3A_663 : memref<128x128xf32, #tpu.memory_space<hbm>>) target_semaphore(%dma_start3A_661 : memref<!tpu.dma_semaphore, #tpu.memory_space<semaphore_mem>>)
      %add3A_668 = arith.constant 2 : i32
      %add3A_669 = arith.addi %add3A_634, %add3A_668 : i32
      %sub3A = arith.constant 5 : i32
      %sub3A_670 = arith.subi %add3A_669, %sub3A : i32
      %mul3A_671 = arith.constant 128 : i32
      %mul3A_672 = arith.muli %sub3A_670, %mul3A_671 : i32
      %add3A_673 = arith.addi %mul3A_2, %mul3A_672 : i32
      %dma_wait3A_674 = arith.constant 2 : i32
      %dma_wait3A_675 = arith.constant 2 : i32
      %dma_wait3A_676 = arith.constant 0 : i32
      %dma_wait3A_677 = arith.constant 0 : i32
      %dma_wait3A_678 = tpu.memref_slice %arg6[%dma_wait3A_674, %dma_wait3A_676, %dma_wait3A_677] : memref<5x128x128xf32, #tpu.memory_space<vmem>> -> memref<1x128x128xf32, #tpu.memory_space<vmem>>
      %dma_wait3A_679 = tpu.memref_squeeze %dma_wait3A_678 : memref<1x128x128xf32, #tpu.memory_space<vmem>> -> memref<128x128xf32, #tpu.memory_space<vmem>>
      %dma_wait3A_680 = arith.constant 0 : i32
      %dma_wait3A_681 = tpu.memref_slice %arg4[%add3A_673, %dma_wait3A_680] : memref<819200x128xf32, #tpu.memory_space<hbm>> -> memref<128x128xf32, #tpu.memory_space<hbm>>
      %dma_wait3A_682 = tpu.memref_slice %arg9[%dma_wait3A_675] : memref<5x!tpu.dma_semaphore, #tpu.memory_space<semaphore_mem>> -> memref<1x!tpu.dma_semaphore, #tpu.memory_space<semaphore_mem>>
      %dma_wait3A_683 = tpu.memref_squeeze %dma_wait3A_682 : memref<1x!tpu.dma_semaphore, #tpu.memory_space<semaphore_mem>> -> memref<!tpu.dma_semaphore, #tpu.memory_space<semaphore_mem>>
      %dma_wait3A_684 = arith.constant 0 : i32
      %dma_wait3A_685 = tpu.memref_slice %arg4[%add3A_673, %dma_wait3A_684] : memref<819200x128xf32, #tpu.memory_space<hbm>> -> memref<128x128xf32, #tpu.memory_space<hbm>>
      %dma_wait3A_686 = arith.constant 0 : i32
      %dma_wait3A_687 = arith.constant 0 : i32
      %dma_wait3A_688 = tpu.memref_slice %arg6[%dma_wait3A_674, %dma_wait3A_686, %dma_wait3A_687] : memref<5x128x128xf32, #tpu.memory_space<vmem>> -> memref<1x128x128xf32, #tpu.memory_space<vmem>>
      %dma_wait3A_689 = tpu.memref_squeeze %dma_wait3A_688 : memref<1x128x128xf32, #tpu.memory_space<vmem>> -> memref<128x128xf32, #tpu.memory_space<vmem>>
      tpu.wait_dma2 semaphore(%dma_wait3A_683 : memref<!tpu.dma_semaphore, #tpu.memory_space<semaphore_mem>>) src(%dma_wait3A_689 : memref<128x128xf32, #tpu.memory_space<vmem>>) dst(%dma_wait3A_685 : memref<128x128xf32, #tpu.memory_space<hbm>>)
      %add3A_690 = arith.constant 2 : i32
      %add3A_691 = arith.addi %add3A_634, %add3A_690 : i32
      %mul3A_692 = arith.constant 128 : i32
      %mul3A_693 = arith.muli %add3A_691, %mul3A_692 : i32
      %dma_start3A_694 = arith.constant 2 : i32
      %dma_start3A_695 = arith.constant 2 : i32
      %dma_start3A_696 = arith.constant 0 : i32
      %dma_start3A_697 = arith.constant 0 : i32
      %dma_start3A_698 = tpu.memref_slice %arg6[%dma_start3A_694, %dma_start3A_696, %dma_start3A_697] : memref<5x128x128xf32, #tpu.memory_space<vmem>> -> memref<1x128x128xf32, #tpu.memory_space<vmem>>
      %dma_start3A_699 = tpu.memref_squeeze %dma_start3A_698 : memref<1x128x128xf32, #tpu.memory_space<vmem>> -> memref<128x128xf32, #tpu.memory_space<vmem>>
      %dma_start3A_700 = tpu.memref_slice %arg5[%mul3A_693] : memref<25600xi32, #tpu.memory_space<vmem>> -> memref<128xi32, #tpu.memory_space<vmem>>
      %dma_start3A_701 = arith.constant 0 : i32
      %dma_start3A_702 = arith.constant 0 : i32
      %dma_start3A_703 = tpu.memref_slice %arg3[%dma_start3A_701, %dma_start3A_702] : memref<100000x128xf32, #tpu.memory_space<hbm>> -> memref<100000x128xf32, #tpu.memory_space<hbm>>
      %dma_start3A_704 = tpu.memref_slice %arg8[%dma_start3A_695] : memref<5x!tpu.dma_semaphore, #tpu.memory_space<semaphore_mem>> -> memref<1x!tpu.dma_semaphore, #tpu.memory_space<semaphore_mem>>
      %dma_start3A_705 = tpu.memref_squeeze %dma_start3A_704 : memref<1x!tpu.dma_semaphore, #tpu.memory_space<semaphore_mem>> -> memref<!tpu.dma_semaphore, #tpu.memory_space<semaphore_mem>>
      tpu.enqueue_indirect_dma source(%dma_start3A_703 : memref<100000x128xf32, #tpu.memory_space<hbm>>) target(%dma_start3A_699 : memref<128x128xf32, #tpu.memory_space<vmem>>) offsets(%dma_start3A_700 : memref<128xi32, #tpu.memory_space<vmem>>) semaphore(%dma_start3A_705 : memref<!tpu.dma_semaphore, #tpu.memory_space<semaphore_mem>>)
      %mul3A_706 = arith.constant 5 : i32
      %mul3A_707 = arith.muli %scan3A_630, %mul3A_706 : i32
      %add3A_708 = arith.constant 1 : i32
      %add3A_709 = arith.addi %mul3A_707, %add3A_708 : i32
      %mul3A_710 = arith.constant 128 : i32
      %mul3A_711 = arith.muli %add3A_709, %mul3A_710 : i32
      %dma_wait3A_712 = arith.constant 1 : i32
      %dma_wait3A_713 = arith.constant 1 : i32
      %dma_wait3A_714 = arith.constant 0 : i32
      %dma_wait3A_715 = arith.constant 0 : i32
      %dma_wait3A_716 = tpu.memref_slice %arg6[%dma_wait3A_712, %dma_wait3A_714, %dma_wait3A_715] : memref<5x128x128xf32, #tpu.memory_space<vmem>> -> memref<1x128x128xf32, #tpu.memory_space<vmem>>
      %dma_wait3A_717 = tpu.memref_squeeze %dma_wait3A_716 : memref<1x128x128xf32, #tpu.memory_space<vmem>> -> memref<128x128xf32, #tpu.memory_space<vmem>>
      %dma_wait3A_718 = tpu.memref_slice %arg5[%mul3A_711] : memref<25600xi32, #tpu.memory_space<vmem>> -> memref<128xi32, #tpu.memory_space<vmem>>
      %dma_wait3A_719 = arith.constant 0 : i32
      %dma_wait3A_720 = arith.constant 0 : i32
      %dma_wait3A_721 = tpu.memref_slice %arg3[%dma_wait3A_719, %dma_wait3A_720] : memref<100000x128xf32, #tpu.memory_space<hbm>> -> memref<100000x128xf32, #tpu.memory_space<hbm>>
      %dma_wait3A_722 = tpu.memref_slice %arg8[%dma_wait3A_713] : memref<5x!tpu.dma_semaphore, #tpu.memory_space<semaphore_mem>> -> memref<1x!tpu.dma_semaphore, #tpu.memory_space<semaphore_mem>>
      %dma_wait3A_723 = tpu.memref_squeeze %dma_wait3A_722 : memref<1x!tpu.dma_semaphore, #tpu.memory_space<semaphore_mem>> -> memref<!tpu.dma_semaphore, #tpu.memory_space<semaphore_mem>>
      tpu.wait_indirect_dma semaphore(%dma_wait3A_723 : memref<!tpu.dma_semaphore, #tpu.memory_space<semaphore_mem>>) src(%dma_wait3A_721 : memref<100000x128xf32, #tpu.memory_space<hbm>>) dst(%dma_wait3A_717 : memref<128x128xf32, #tpu.memory_space<vmem>>)
      %mul3A_724 = arith.constant 128 : i32
      %mul3A_725 = arith.muli %add3A_709, %mul3A_724 : i32
      %add3A_726 = arith.addi %mul3A_2, %mul3A_725 : i32
      %dma_start3A_727 = arith.constant 1 : i32
      %dma_start3A_728 = arith.constant 1 : i32
      %dma_start3A_729 = arith.constant 0 : i32
      %dma_start3A_730 = arith.constant 0 : i32
      %dma_start3A_731 = tpu.memref_slice %arg6[%dma_start3A_727, %dma_start3A_729, %dma_start3A_730] : memref<5x128x128xf32, #tpu.memory_space<vmem>> -> memref<1x128x128xf32, #tpu.memory_space<vmem>>
      %dma_start3A_732 = tpu.memref_squeeze %dma_start3A_731 : memref<1x128x128xf32, #tpu.memory_space<vmem>> -> memref<128x128xf32, #tpu.memory_space<vmem>>
      %dma_start3A_733 = arith.constant 0 : i32
      %dma_start3A_734 = tpu.memref_slice %arg4[%add3A_726, %dma_start3A_733] : memref<819200x128xf32, #tpu.memory_space<hbm>> -> memref<128x128xf32, #tpu.memory_space<hbm>>
      %dma_start3A_735 = tpu.memref_slice %arg9[%dma_start3A_728] : memref<5x!tpu.dma_semaphore, #tpu.memory_space<semaphore_mem>> -> memref<1x!tpu.dma_semaphore, #tpu.memory_space<semaphore_mem>>
      %dma_start3A_736 = tpu.memref_squeeze %dma_start3A_735 : memref<1x!tpu.dma_semaphore, #tpu.memory_space<semaphore_mem>> -> memref<!tpu.dma_semaphore, #tpu.memory_space<semaphore_mem>>
      %dma_start3A_737 = arith.constant 0 : i32
      %dma_start3A_738 = tpu.memref_slice %arg4[%add3A_726, %dma_start3A_737] : memref<819200x128xf32, #tpu.memory_space<hbm>> -> memref<128x128xf32, #tpu.memory_space<hbm>>
      %dma_start3A_739 = arith.constant 0 : i32
      %dma_start3A_740 = arith.constant 0 : i32
      %dma_start3A_741 = tpu.memref_slice %arg6[%dma_start3A_727, %dma_start3A_739, %dma_start3A_740] : memref<5x128x128xf32, #tpu.memory_space<vmem>> -> memref<1x128x128xf32, #tpu.memory_space<vmem>>
      %dma_start3A_742 = tpu.memref_squeeze %dma_start3A_741 : memref<1x128x128xf32, #tpu.memory_space<vmem>> -> memref<128x128xf32, #tpu.memory_space<vmem>>
      tpu.enqueue_dma source(%dma_start3A_742 : memref<128x128xf32, #tpu.memory_space<vmem>>) target(%dma_start3A_738 : memref<128x128xf32, #tpu.memory_space<hbm>>) target_semaphore(%dma_start3A_736 : memref<!tpu.dma_semaphore, #tpu.memory_space<semaphore_mem>>)
      %add3A_743 = arith.constant 2 : i32
      %add3A_744 = arith.addi %add3A_709, %add3A_743 : i32
      %sub3A_745 = arith.constant 5 : i32
      %sub3A_746 = arith.subi %add3A_744, %sub3A_745 : i32
      %mul3A_747 = arith.constant 128 : i32
      %mul3A_748 = arith.muli %sub3A_746, %mul3A_747 : i32
      %add3A_749 = arith.addi %mul3A_2, %mul3A_748 : i32
      %dma_wait3A_750 = arith.constant 3 : i32
      %dma_wait3A_751 = arith.constant 3 : i32
      %dma_wait3A_752 = arith.constant 0 : i32
      %dma_wait3A_753 = arith.constant 0 : i32
      %dma_wait3A_754 = tpu.memref_slice %arg6[%dma_wait3A_750, %dma_wait3A_752, %dma_wait3A_753] : memref<5x128x128xf32, #tpu.memory_space<vmem>> -> memref<1x128x128xf32, #tpu.memory_space<vmem>>
      %dma_wait3A_755 = tpu.memref_squeeze %dma_wait3A_754 : memref<1x128x128xf32, #tpu.memory_space<vmem>> -> memref<128x128xf32, #tpu.memory_space<vmem>>
      %dma_wait3A_756 = arith.constant 0 : i32
      %dma_wait3A_757 = tpu.memref_slice %arg4[%add3A_749, %dma_wait3A_756] : memref<819200x128xf32, #tpu.memory_space<hbm>> -> memref<128x128xf32, #tpu.memory_space<hbm>>
      %dma_wait3A_758 = tpu.memref_slice %arg9[%dma_wait3A_751] : memref<5x!tpu.dma_semaphore, #tpu.memory_space<semaphore_mem>> -> memref<1x!tpu.dma_semaphore, #tpu.memory_space<semaphore_mem>>
      %dma_wait3A_759 = tpu.memref_squeeze %dma_wait3A_758 : memref<1x!tpu.dma_semaphore, #tpu.memory_space<semaphore_mem>> -> memref<!tpu.dma_semaphore, #tpu.memory_space<semaphore_mem>>
      %dma_wait3A_760 = arith.constant 0 : i32
      %dma_wait3A_761 = tpu.memref_slice %arg4[%add3A_749, %dma_wait3A_760] : memref<819200x128xf32, #tpu.memory_space<hbm>> -> memref<128x128xf32, #tpu.memory_space<hbm>>
      %dma_wait3A_762 = arith.constant 0 : i32
      %dma_wait3A_763 = arith.constant 0 : i32
      %dma_wait3A_764 = tpu.memref_slice %arg6[%dma_wait3A_750, %dma_wait3A_762, %dma_wait3A_763] : memref<5x128x128xf32, #tpu.memory_space<vmem>> -> memref<1x128x128xf32, #tpu.memory_space<vmem>>
      %dma_wait3A_765 = tpu.memref_squeeze %dma_wait3A_764 : memref<1x128x128xf32, #tpu.memory_space<vmem>> -> memref<128x128xf32, #tpu.memory_space<vmem>>
      tpu.wait_dma2 semaphore(%dma_wait3A_759 : memref<!tpu.dma_semaphore, #tpu.memory_space<semaphore_mem>>) src(%dma_wait3A_765 : memref<128x128xf32, #tpu.memory_space<vmem>>) dst(%dma_wait3A_761 : memref<128x128xf32, #tpu.memory_space<hbm>>)
      %add3A_766 = arith.constant 2 : i32
      %add3A_767 = arith.addi %add3A_709, %add3A_766 : i32
      %mul3A_768 = arith.constant 128 : i32
      %mul3A_769 = arith.muli %add3A_767, %mul3A_768 : i32
      %dma_start3A_770 = arith.constant 3 : i32
      %dma_start3A_771 = arith.constant 3 : i32
      %dma_start3A_772 = arith.constant 0 : i32
      %dma_start3A_773 = arith.constant 0 : i32
      %dma_start3A_774 = tpu.memref_slice %arg6[%dma_start3A_770, %dma_start3A_772, %dma_start3A_773] : memref<5x128x128xf32, #tpu.memory_space<vmem>> -> memref<1x128x128xf32, #tpu.memory_space<vmem>>
      %dma_start3A_775 = tpu.memref_squeeze %dma_start3A_774 : memref<1x128x128xf32, #tpu.memory_space<vmem>> -> memref<128x128xf32, #tpu.memory_space<vmem>>
      %dma_start3A_776 = tpu.memref_slice %arg5[%mul3A_769] : memref<25600xi32, #tpu.memory_space<vmem>> -> memref<128xi32, #tpu.memory_space<vmem>>
      %dma_start3A_777 = arith.constant 0 : i32
      %dma_start3A_778 = arith.constant 0 : i32
      %dma_start3A_779 = tpu.memref_slice %arg3[%dma_start3A_777, %dma_start3A_778] : memref<100000x128xf32, #tpu.memory_space<hbm>> -> memref<100000x128xf32, #tpu.memory_space<hbm>>
      %dma_start3A_780 = tpu.memref_slice %arg8[%dma_start3A_771] : memref<5x!tpu.dma_semaphore, #tpu.memory_space<semaphore_mem>> -> memref<1x!tpu.dma_semaphore, #tpu.memory_space<semaphore_mem>>
      %dma_start3A_781 = tpu.memref_squeeze %dma_start3A_780 : memref<1x!tpu.dma_semaphore, #tpu.memory_space<semaphore_mem>> -> memref<!tpu.dma_semaphore, #tpu.memory_space<semaphore_mem>>
      tpu.enqueue_indirect_dma source(%dma_start3A_779 : memref<100000x128xf32, #tpu.memory_space<hbm>>) target(%dma_start3A_775 : memref<128x128xf32, #tpu.memory_space<vmem>>) offsets(%dma_start3A_776 : memref<128xi32, #tpu.memory_space<vmem>>) semaphore(%dma_start3A_781 : memref<!tpu.dma_semaphore, #tpu.memory_space<semaphore_mem>>)
      %mul3A_782 = arith.constant 5 : i32
      %mul3A_783 = arith.muli %scan3A_630, %mul3A_782 : i32
      %add3A_784 = arith.constant 2 : i32
      %add3A_785 = arith.addi %mul3A_783, %add3A_784 : i32
      %mul3A_786 = arith.constant 128 : i32
      %mul3A_787 = arith.muli %add3A_785, %mul3A_786 : i32
      %dma_wait3A_788 = arith.constant 2 : i32
      %dma_wait3A_789 = arith.constant 2 : i32
      %dma_wait3A_790 = arith.constant 0 : i32
      %dma_wait3A_791 = arith.constant 0 : i32
      %dma_wait3A_792 = tpu.memref_slice %arg6[%dma_wait3A_788, %dma_wait3A_790, %dma_wait3A_791] : memref<5x128x128xf32, #tpu.memory_space<vmem>> -> memref<1x128x128xf32, #tpu.memory_space<vmem>>
      %dma_wait3A_793 = tpu.memref_squeeze %dma_wait3A_792 : memref<1x128x128xf32, #tpu.memory_space<vmem>> -> memref<128x128xf32, #tpu.memory_space<vmem>>
      %dma_wait3A_794 = tpu.memref_slice %arg5[%mul3A_787] : memref<25600xi32, #tpu.memory_space<vmem>> -> memref<128xi32, #tpu.memory_space<vmem>>
      %dma_wait3A_795 = arith.constant 0 : i32
      %dma_wait3A_796 = arith.constant 0 : i32
      %dma_wait3A_797 = tpu.memref_slice %arg3[%dma_wait3A_795, %dma_wait3A_796] : memref<100000x128xf32, #tpu.memory_space<hbm>> -> memref<100000x128xf32, #tpu.memory_space<hbm>>
      %dma_wait3A_798 = tpu.memref_slice %arg8[%dma_wait3A_789] : memref<5x!tpu.dma_semaphore, #tpu.memory_space<semaphore_mem>> -> memref<1x!tpu.dma_semaphore, #tpu.memory_space<semaphore_mem>>
      %dma_wait3A_799 = tpu.memref_squeeze %dma_wait3A_798 : memref<1x!tpu.dma_semaphore, #tpu.memory_space<semaphore_mem>> -> memref<!tpu.dma_semaphore, #tpu.memory_space<semaphore_mem>>
      tpu.wait_indirect_dma semaphore(%dma_wait3A_799 : memref<!tpu.dma_semaphore, #tpu.memory_space<semaphore_mem>>) src(%dma_wait3A_797 : memref<100000x128xf32, #tpu.memory_space<hbm>>) dst(%dma_wait3A_793 : memref<128x128xf32, #tpu.memory_space<vmem>>)
      %mul3A_800 = arith.constant 128 : i32
      %mul3A_801 = arith.muli %add3A_785, %mul3A_800 : i32
      %add3A_802 = arith.addi %mul3A_2, %mul3A_801 : i32
      %dma_start3A_803 = arith.constant 2 : i32
      %dma_start3A_804 = arith.constant 2 : i32
      %dma_start3A_805 = arith.constant 0 : i32
      %dma_start3A_806 = arith.constant 0 : i32
      %dma_start3A_807 = tpu.memref_slice %arg6[%dma_start3A_803, %dma_start3A_805, %dma_start3A_806] : memref<5x128x128xf32, #tpu.memory_space<vmem>> -> memref<1x128x128xf32, #tpu.memory_space<vmem>>
      %dma_start3A_808 = tpu.memref_squeeze %dma_start3A_807 : memref<1x128x128xf32, #tpu.memory_space<vmem>> -> memref<128x128xf32, #tpu.memory_space<vmem>>
      %dma_start3A_809 = arith.constant 0 : i32
      %dma_start3A_810 = tpu.memref_slice %arg4[%add3A_802, %dma_start3A_809] : memref<819200x128xf32, #tpu.memory_space<hbm>> -> memref<128x128xf32, #tpu.memory_space<hbm>>
      %dma_start3A_811 = tpu.memref_slice %arg9[%dma_start3A_804] : memref<5x!tpu.dma_semaphore, #tpu.memory_space<semaphore_mem>> -> memref<1x!tpu.dma_semaphore, #tpu.memory_space<semaphore_mem>>
      %dma_start3A_812 = tpu.memref_squeeze %dma_start3A_811 : memref<1x!tpu.dma_semaphore, #tpu.memory_space<semaphore_mem>> -> memref<!tpu.dma_semaphore, #tpu.memory_space<semaphore_mem>>
      %dma_start3A_813 = arith.constant 0 : i32
      %dma_start3A_814 = tpu.memref_slice %arg4[%add3A_802, %dma_start3A_813] : memref<819200x128xf32, #tpu.memory_space<hbm>> -> memref<128x128xf32, #tpu.memory_space<hbm>>
      %dma_start3A_815 = arith.constant 0 : i32
      %dma_start3A_816 = arith.constant 0 : i32
      %dma_start3A_817 = tpu.memref_slice %arg6[%dma_start3A_803, %dma_start3A_815, %dma_start3A_816] : memref<5x128x128xf32, #tpu.memory_space<vmem>> -> memref<1x128x128xf32, #tpu.memory_space<vmem>>
      %dma_start3A_818 = tpu.memref_squeeze %dma_start3A_817 : memref<1x128x128xf32, #tpu.memory_space<vmem>> -> memref<128x128xf32, #tpu.memory_space<vmem>>
      tpu.enqueue_dma source(%dma_start3A_818 : memref<128x128xf32, #tpu.memory_space<vmem>>) target(%dma_start3A_814 : memref<128x128xf32, #tpu.memory_space<hbm>>) target_semaphore(%dma_start3A_812 : memref<!tpu.dma_semaphore, #tpu.memory_space<semaphore_mem>>)
      %add3A_819 = arith.constant 2 : i32
      %add3A_820 = arith.addi %add3A_785, %add3A_819 : i32
      %sub3A_821 = arith.constant 5 : i32
      %sub3A_822 = arith.subi %add3A_820, %sub3A_821 : i32
      %mul3A_823 = arith.constant 128 : i32
      %mul3A_824 = arith.muli %sub3A_822, %mul3A_823 : i32
      %add3A_825 = arith.addi %mul3A_2, %mul3A_824 : i32
      %dma_wait3A_826 = arith.constant 4 : i32
      %dma_wait3A_827 = arith.constant 4 : i32
      %dma_wait3A_828 = arith.constant 0 : i32
      %dma_wait3A_829 = arith.constant 0 : i32
      %dma_wait3A_830 = tpu.memref_slice %arg6[%dma_wait3A_826, %dma_wait3A_828, %dma_wait3A_829] : memref<5x128x128xf32, #tpu.memory_space<vmem>> -> memref<1x128x128xf32, #tpu.memory_space<vmem>>
      %dma_wait3A_831 = tpu.memref_squeeze %dma_wait3A_830 : memref<1x128x128xf32, #tpu.memory_space<vmem>> -> memref<128x128xf32, #tpu.memory_space<vmem>>
      %dma_wait3A_832 = arith.constant 0 : i32
      %dma_wait3A_833 = tpu.memref_slice %arg4[%add3A_825, %dma_wait3A_832] : memref<819200x128xf32, #tpu.memory_space<hbm>> -> memref<128x128xf32, #tpu.memory_space<hbm>>
      %dma_wait3A_834 = tpu.memref_slice %arg9[%dma_wait3A_827] : memref<5x!tpu.dma_semaphore, #tpu.memory_space<semaphore_mem>> -> memref<1x!tpu.dma_semaphore, #tpu.memory_space<semaphore_mem>>
      %dma_wait3A_835 = tpu.memref_squeeze %dma_wait3A_834 : memref<1x!tpu.dma_semaphore, #tpu.memory_space<semaphore_mem>> -> memref<!tpu.dma_semaphore, #tpu.memory_space<semaphore_mem>>
      %dma_wait3A_836 = arith.constant 0 : i32
      %dma_wait3A_837 = tpu.memref_slice %arg4[%add3A_825, %dma_wait3A_836] : memref<819200x128xf32, #tpu.memory_space<hbm>> -> memref<128x128xf32, #tpu.memory_space<hbm>>
      %dma_wait3A_838 = arith.constant 0 : i32
      %dma_wait3A_839 = arith.constant 0 : i32
      %dma_wait3A_840 = tpu.memref_slice %arg6[%dma_wait3A_826, %dma_wait3A_838, %dma_wait3A_839] : memref<5x128x128xf32, #tpu.memory_space<vmem>> -> memref<1x128x128xf32, #tpu.memory_space<vmem>>
      %dma_wait3A_841 = tpu.memref_squeeze %dma_wait3A_840 : memref<1x128x128xf32, #tpu.memory_space<vmem>> -> memref<128x128xf32, #tpu.memory_space<vmem>>
      tpu.wait_dma2 semaphore(%dma_wait3A_835 : memref<!tpu.dma_semaphore, #tpu.memory_space<semaphore_mem>>) src(%dma_wait3A_841 : memref<128x128xf32, #tpu.memory_space<vmem>>) dst(%dma_wait3A_837 : memref<128x128xf32, #tpu.memory_space<hbm>>)
      %add3A_842 = arith.constant 2 : i32
      %add3A_843 = arith.addi %add3A_785, %add3A_842 : i32
      %mul3A_844 = arith.constant 128 : i32
      %mul3A_845 = arith.muli %add3A_843, %mul3A_844 : i32
      %dma_start3A_846 = arith.constant 4 : i32
      %dma_start3A_847 = arith.constant 4 : i32
      %dma_start3A_848 = arith.constant 0 : i32
      %dma_start3A_849 = arith.constant 0 : i32
      %dma_start3A_850 = tpu.memref_slice %arg6[%dma_start3A_846, %dma_start3A_848, %dma_start3A_849] : memref<5x128x128xf32, #tpu.memory_space<vmem>> -> memref<1x128x128xf32, #tpu.memory_space<vmem>>
      %dma_start3A_851 = tpu.memref_squeeze %dma_start3A_850 : memref<1x128x128xf32, #tpu.memory_space<vmem>> -> memref<128x128xf32, #tpu.memory_space<vmem>>
      %dma_start3A_852 = tpu.memref_slice %arg5[%mul3A_845] : memref<25600xi32, #tpu.memory_space<vmem>> -> memref<128xi32, #tpu.memory_space<vmem>>
      %dma_start3A_853 = arith.constant 0 : i32
      %dma_start3A_854 = arith.constant 0 : i32
      %dma_start3A_855 = tpu.memref_slice %arg3[%dma_start3A_853, %dma_start3A_854] : memref<100000x128xf32, #tpu.memory_space<hbm>> -> memref<100000x128xf32, #tpu.memory_space<hbm>>
      %dma_start3A_856 = tpu.memref_slice %arg8[%dma_start3A_847] : memref<5x!tpu.dma_semaphore, #tpu.memory_space<semaphore_mem>> -> memref<1x!tpu.dma_semaphore, #tpu.memory_space<semaphore_mem>>
      %dma_start3A_857 = tpu.memref_squeeze %dma_start3A_856 : memref<1x!tpu.dma_semaphore, #tpu.memory_space<semaphore_mem>> -> memref<!tpu.dma_semaphore, #tpu.memory_space<semaphore_mem>>
      tpu.enqueue_indirect_dma source(%dma_start3A_855 : memref<100000x128xf32, #tpu.memory_space<hbm>>) target(%dma_start3A_851 : memref<128x128xf32, #tpu.memory_space<vmem>>) offsets(%dma_start3A_852 : memref<128xi32, #tpu.memory_space<vmem>>) semaphore(%dma_start3A_857 : memref<!tpu.dma_semaphore, #tpu.memory_space<semaphore_mem>>)
      %mul3A_858 = arith.constant 5 : i32
      %mul3A_859 = arith.muli %scan3A_630, %mul3A_858 : i32
      %add3A_860 = arith.constant 3 : i32
      %add3A_861 = arith.addi %mul3A_859, %add3A_860 : i32
      %mul3A_862 = arith.constant 128 : i32
      %mul3A_863 = arith.muli %add3A_861, %mul3A_862 : i32
      %dma_wait3A_864 = arith.constant 3 : i32
      %dma_wait3A_865 = arith.constant 3 : i32
      %dma_wait3A_866 = arith.constant 0 : i32
      %dma_wait3A_867 = arith.constant 0 : i32
      %dma_wait3A_868 = tpu.memref_slice %arg6[%dma_wait3A_864, %dma_wait3A_866, %dma_wait3A_867] : memref<5x128x128xf32, #tpu.memory_space<vmem>> -> memref<1x128x128xf32, #tpu.memory_space<vmem>>
      %dma_wait3A_869 = tpu.memref_squeeze %dma_wait3A_868 : memref<1x128x128xf32, #tpu.memory_space<vmem>> -> memref<128x128xf32, #tpu.memory_space<vmem>>
      %dma_wait3A_870 = tpu.memref_slice %arg5[%mul3A_863] : memref<25600xi32, #tpu.memory_space<vmem>> -> memref<128xi32, #tpu.memory_space<vmem>>
      %dma_wait3A_871 = arith.constant 0 : i32
      %dma_wait3A_872 = arith.constant 0 : i32
      %dma_wait3A_873 = tpu.memref_slice %arg3[%dma_wait3A_871, %dma_wait3A_872] : memref<100000x128xf32, #tpu.memory_space<hbm>> -> memref<100000x128xf32, #tpu.memory_space<hbm>>
      %dma_wait3A_874 = tpu.memref_slice %arg8[%dma_wait3A_865] : memref<5x!tpu.dma_semaphore, #tpu.memory_space<semaphore_mem>> -> memref<1x!tpu.dma_semaphore, #tpu.memory_space<semaphore_mem>>
      %dma_wait3A_875 = tpu.memref_squeeze %dma_wait3A_874 : memref<1x!tpu.dma_semaphore, #tpu.memory_space<semaphore_mem>> -> memref<!tpu.dma_semaphore, #tpu.memory_space<semaphore_mem>>
      tpu.wait_indirect_dma semaphore(%dma_wait3A_875 : memref<!tpu.dma_semaphore, #tpu.memory_space<semaphore_mem>>) src(%dma_wait3A_873 : memref<100000x128xf32, #tpu.memory_space<hbm>>) dst(%dma_wait3A_869 : memref<128x128xf32, #tpu.memory_space<vmem>>)
      %mul3A_876 = arith.constant 128 : i32
      %mul3A_877 = arith.muli %add3A_861, %mul3A_876 : i32
      %add3A_878 = arith.addi %mul3A_2, %mul3A_877 : i32
      %dma_start3A_879 = arith.constant 3 : i32
      %dma_start3A_880 = arith.constant 3 : i32
      %dma_start3A_881 = arith.constant 0 : i32
      %dma_start3A_882 = arith.constant 0 : i32
      %dma_start3A_883 = tpu.memref_slice %arg6[%dma_start3A_879, %dma_start3A_881, %dma_start3A_882] : memref<5x128x128xf32, #tpu.memory_space<vmem>> -> memref<1x128x128xf32, #tpu.memory_space<vmem>>
      %dma_start3A_884 = tpu.memref_squeeze %dma_start3A_883 : memref<1x128x128xf32, #tpu.memory_space<vmem>> -> memref<128x128xf32, #tpu.memory_space<vmem>>
      %dma_start3A_885 = arith.constant 0 : i32
      %dma_start3A_886 = tpu.memref_slice %arg4[%add3A_878, %dma_start3A_885] : memref<819200x128xf32, #tpu.memory_space<hbm>> -> memref<128x128xf32, #tpu.memory_space<hbm>>
      %dma_start3A_887 = tpu.memref_slice %arg9[%dma_start3A_880] : memref<5x!tpu.dma_semaphore, #tpu.memory_space<semaphore_mem>> -> memref<1x!tpu.dma_semaphore, #tpu.memory_space<semaphore_mem>>
      %dma_start3A_888 = tpu.memref_squeeze %dma_start3A_887 : memref<1x!tpu.dma_semaphore, #tpu.memory_space<semaphore_mem>> -> memref<!tpu.dma_semaphore, #tpu.memory_space<semaphore_mem>>
      %dma_start3A_889 = arith.constant 0 : i32
      %dma_start3A_890 = tpu.memref_slice %arg4[%add3A_878, %dma_start3A_889] : memref<819200x128xf32, #tpu.memory_space<hbm>> -> memref<128x128xf32, #tpu.memory_space<hbm>>
      %dma_start3A_891 = arith.constant 0 : i32
      %dma_start3A_892 = arith.constant 0 : i32
      %dma_start3A_893 = tpu.memref_slice %arg6[%dma_start3A_879, %dma_start3A_891, %dma_start3A_892] : memref<5x128x128xf32, #tpu.memory_space<vmem>> -> memref<1x128x128xf32, #tpu.memory_space<vmem>>
      %dma_start3A_894 = tpu.memref_squeeze %dma_start3A_893 : memref<1x128x128xf32, #tpu.memory_space<vmem>> -> memref<128x128xf32, #tpu.memory_space<vmem>>
      tpu.enqueue_dma source(%dma_start3A_894 : memref<128x128xf32, #tpu.memory_space<vmem>>) target(%dma_start3A_890 : memref<128x128xf32, #tpu.memory_space<hbm>>) target_semaphore(%dma_start3A_888 : memref<!tpu.dma_semaphore, #tpu.memory_space<semaphore_mem>>)
      %add3A_895 = arith.constant 2 : i32
      %add3A_896 = arith.addi %add3A_861, %add3A_895 : i32
      %sub3A_897 = arith.constant 5 : i32
      %sub3A_898 = arith.subi %add3A_896, %sub3A_897 : i32
      %mul3A_899 = arith.constant 128 : i32
      %mul3A_900 = arith.muli %sub3A_898, %mul3A_899 : i32
      %add3A_901 = arith.addi %mul3A_2, %mul3A_900 : i32
      %dma_wait3A_902 = arith.constant 0 : i32
      %dma_wait3A_903 = arith.constant 0 : i32
      %dma_wait3A_904 = arith.constant 0 : i32
      %dma_wait3A_905 = arith.constant 0 : i32
      %dma_wait3A_906 = tpu.memref_slice %arg6[%dma_wait3A_902, %dma_wait3A_904, %dma_wait3A_905] : memref<5x128x128xf32, #tpu.memory_space<vmem>> -> memref<1x128x128xf32, #tpu.memory_space<vmem>>
      %dma_wait3A_907 = tpu.memref_squeeze %dma_wait3A_906 : memref<1x128x128xf32, #tpu.memory_space<vmem>> -> memref<128x128xf32, #tpu.memory_space<vmem>>
      %dma_wait3A_908 = arith.constant 0 : i32
      %dma_wait3A_909 = tpu.memref_slice %arg4[%add3A_901, %dma_wait3A_908] : memref<819200x128xf32, #tpu.memory_space<hbm>> -> memref<128x128xf32, #tpu.memory_space<hbm>>
      %dma_wait3A_910 = tpu.memref_slice %arg9[%dma_wait3A_903] : memref<5x!tpu.dma_semaphore, #tpu.memory_space<semaphore_mem>> -> memref<1x!tpu.dma_semaphore, #tpu.memory_space<semaphore_mem>>
      %dma_wait3A_911 = tpu.memref_squeeze %dma_wait3A_910 : memref<1x!tpu.dma_semaphore, #tpu.memory_space<semaphore_mem>> -> memref<!tpu.dma_semaphore, #tpu.memory_space<semaphore_mem>>
      %dma_wait3A_912 = arith.constant 0 : i32
      %dma_wait3A_913 = tpu.memref_slice %arg4[%add3A_901, %dma_wait3A_912] : memref<819200x128xf32, #tpu.memory_space<hbm>> -> memref<128x128xf32, #tpu.memory_space<hbm>>
      %dma_wait3A_914 = arith.constant 0 : i32
      %dma_wait3A_915 = arith.constant 0 : i32
      %dma_wait3A_916 = tpu.memref_slice %arg6[%dma_wait3A_902, %dma_wait3A_914, %dma_wait3A_915] : memref<5x128x128xf32, #tpu.memory_space<vmem>> -> memref<1x128x128xf32, #tpu.memory_space<vmem>>
      %dma_wait3A_917 = tpu.memref_squeeze %dma_wait3A_916 : memref<1x128x128xf32, #tpu.memory_space<vmem>> -> memref<128x128xf32, #tpu.memory_space<vmem>>
      tpu.wait_dma2 semaphore(%dma_wait3A_911 : memref<!tpu.dma_semaphore, #tpu.memory_space<semaphore_mem>>) src(%dma_wait3A_917 : memref<128x128xf32, #tpu.memory_space<vmem>>) dst(%dma_wait3A_913 : memref<128x128xf32, #tpu.memory_space<hbm>>)
      %add3A_918 = arith.constant 2 : i32
      %add3A_919 = arith.addi %add3A_861, %add3A_918 : i32
      %mul3A_920 = arith.constant 128 : i32
      %mul3A_921 = arith.muli %add3A_919, %mul3A_920 : i32
      %dma_start3A_922 = arith.constant 0 : i32
      %dma_start3A_923 = arith.constant 0 : i32
      %dma_start3A_924 = arith.constant 0 : i32
      %dma_start3A_925 = arith.constant 0 : i32
      %dma_start3A_926 = tpu.memref_slice %arg6[%dma_start3A_922, %dma_start3A_924, %dma_start3A_925] : memref<5x128x128xf32, #tpu.memory_space<vmem>> -> memref<1x128x128xf32, #tpu.memory_space<vmem>>
      %dma_start3A_927 = tpu.memref_squeeze %dma_start3A_926 : memref<1x128x128xf32, #tpu.memory_space<vmem>> -> memref<128x128xf32, #tpu.memory_space<vmem>>
      %dma_start3A_928 = tpu.memref_slice %arg5[%mul3A_921] : memref<25600xi32, #tpu.memory_space<vmem>> -> memref<128xi32, #tpu.memory_space<vmem>>
      %dma_start3A_929 = arith.constant 0 : i32
      %dma_start3A_930 = arith.constant 0 : i32
      %dma_start3A_931 = tpu.memref_slice %arg3[%dma_start3A_929, %dma_start3A_930] : memref<100000x128xf32, #tpu.memory_space<hbm>> -> memref<100000x128xf32, #tpu.memory_space<hbm>>
      %dma_start3A_932 = tpu.memref_slice %arg8[%dma_start3A_923] : memref<5x!tpu.dma_semaphore, #tpu.memory_space<semaphore_mem>> -> memref<1x!tpu.dma_semaphore, #tpu.memory_space<semaphore_mem>>
      %dma_start3A_933 = tpu.memref_squeeze %dma_start3A_932 : memref<1x!tpu.dma_semaphore, #tpu.memory_space<semaphore_mem>> -> memref<!tpu.dma_semaphore, #tpu.memory_space<semaphore_mem>>
      tpu.enqueue_indirect_dma source(%dma_start3A_931 : memref<100000x128xf32, #tpu.memory_space<hbm>>) target(%dma_start3A_927 : memref<128x128xf32, #tpu.memory_space<vmem>>) offsets(%dma_start3A_928 : memref<128xi32, #tpu.memory_space<vmem>>) semaphore(%dma_start3A_933 : memref<!tpu.dma_semaphore, #tpu.memory_space<semaphore_mem>>)
      %mul3A_934 = arith.constant 5 : i32
      %mul3A_935 = arith.muli %scan3A_630, %mul3A_934 : i32
      %add3A_936 = arith.constant 4 : i32
      %add3A_937 = arith.addi %mul3A_935, %add3A_936 : i32
      %mul3A_938 = arith.constant 128 : i32
      %mul3A_939 = arith.muli %add3A_937, %mul3A_938 : i32
      %dma_wait3A_940 = arith.constant 4 : i32
      %dma_wait3A_941 = arith.constant 4 : i32
      %dma_wait3A_942 = arith.constant 0 : i32
      %dma_wait3A_943 = arith.constant 0 : i32
      %dma_wait3A_944 = tpu.memref_slice %arg6[%dma_wait3A_940, %dma_wait3A_942, %dma_wait3A_943] : memref<5x128x128xf32, #tpu.memory_space<vmem>> -> memref<1x128x128xf32, #tpu.memory_space<vmem>>
      %dma_wait3A_945 = tpu.memref_squeeze %dma_wait3A_944 : memref<1x128x128xf32, #tpu.memory_space<vmem>> -> memref<128x128xf32, #tpu.memory_space<vmem>>
      %dma_wait3A_946 = tpu.memref_slice %arg5[%mul3A_939] : memref<25600xi32, #tpu.memory_space<vmem>> -> memref<128xi32, #tpu.memory_space<vmem>>
      %dma_wait3A_947 = arith.constant 0 : i32
      %dma_wait3A_948 = arith.constant 0 : i32
      %dma_wait3A_949 = tpu.memref_slice %arg3[%dma_wait3A_947, %dma_wait3A_948] : memref<100000x128xf32, #tpu.memory_space<hbm>> -> memref<100000x128xf32, #tpu.memory_space<hbm>>
      %dma_wait3A_950 = tpu.memref_slice %arg8[%dma_wait3A_941] : memref<5x!tpu.dma_semaphore, #tpu.memory_space<semaphore_mem>> -> memref<1x!tpu.dma_semaphore, #tpu.memory_space<semaphore_mem>>
      %dma_wait3A_951 = tpu.memref_squeeze %dma_wait3A_950 : memref<1x!tpu.dma_semaphore, #tpu.memory_space<semaphore_mem>> -> memref<!tpu.dma_semaphore, #tpu.memory_space<semaphore_mem>>
      tpu.wait_indirect_dma semaphore(%dma_wait3A_951 : memref<!tpu.dma_semaphore, #tpu.memory_space<semaphore_mem>>) src(%dma_wait3A_949 : memref<100000x128xf32, #tpu.memory_space<hbm>>) dst(%dma_wait3A_945 : memref<128x128xf32, #tpu.memory_space<vmem>>)
      %mul3A_952 = arith.constant 128 : i32
      %mul3A_953 = arith.muli %add3A_937, %mul3A_952 : i32
      %add3A_954 = arith.addi %mul3A_2, %mul3A_953 : i32
      %dma_start3A_955 = arith.constant 4 : i32
      %dma_start3A_956 = arith.constant 4 : i32
      %dma_start3A_957 = arith.constant 0 : i32
      %dma_start3A_958 = arith.constant 0 : i32
      %dma_start3A_959 = tpu.memref_slice %arg6[%dma_start3A_955, %dma_start3A_957, %dma_start3A_958] : memref<5x128x128xf32, #tpu.memory_space<vmem>> -> memref<1x128x128xf32, #tpu.memory_space<vmem>>
      %dma_start3A_960 = tpu.memref_squeeze %dma_start3A_959 : memref<1x128x128xf32, #tpu.memory_space<vmem>> -> memref<128x128xf32, #tpu.memory_space<vmem>>
      %dma_start3A_961 = arith.constant 0 : i32
      %dma_start3A_962 = tpu.memref_slice %arg4[%add3A_954, %dma_start3A_961] : memref<819200x128xf32, #tpu.memory_space<hbm>> -> memref<128x128xf32, #tpu.memory_space<hbm>>
      %dma_start3A_963 = tpu.memref_slice %arg9[%dma_start3A_956] : memref<5x!tpu.dma_semaphore, #tpu.memory_space<semaphore_mem>> -> memref<1x!tpu.dma_semaphore, #tpu.memory_space<semaphore_mem>>
      %dma_start3A_964 = tpu.memref_squeeze %dma_start3A_963 : memref<1x!tpu.dma_semaphore, #tpu.memory_space<semaphore_mem>> -> memref<!tpu.dma_semaphore, #tpu.memory_space<semaphore_mem>>
      %dma_start3A_965 = arith.constant 0 : i32
      %dma_start3A_966 = tpu.memref_slice %arg4[%add3A_954, %dma_start3A_965] : memref<819200x128xf32, #tpu.memory_space<hbm>> -> memref<128x128xf32, #tpu.memory_space<hbm>>
      %dma_start3A_967 = arith.constant 0 : i32
      %dma_start3A_968 = arith.constant 0 : i32
      %dma_start3A_969 = tpu.memref_slice %arg6[%dma_start3A_955, %dma_start3A_967, %dma_start3A_968] : memref<5x128x128xf32, #tpu.memory_space<vmem>> -> memref<1x128x128xf32, #tpu.memory_space<vmem>>
      %dma_start3A_970 = tpu.memref_squeeze %dma_start3A_969 : memref<1x128x128xf32, #tpu.memory_space<vmem>> -> memref<128x128xf32, #tpu.memory_space<vmem>>
      tpu.enqueue_dma source(%dma_start3A_970 : memref<128x128xf32, #tpu.memory_space<vmem>>) target(%dma_start3A_966 : memref<128x128xf32, #tpu.memory_space<hbm>>) target_semaphore(%dma_start3A_964 : memref<!tpu.dma_semaphore, #tpu.memory_space<semaphore_mem>>)
      %add3A_971 = arith.constant 2 : i32
      %add3A_972 = arith.addi %add3A_937, %add3A_971 : i32
      %sub3A_973 = arith.constant 5 : i32
      %sub3A_974 = arith.subi %add3A_972, %sub3A_973 : i32
      %mul3A_975 = arith.constant 128 : i32
      %mul3A_976 = arith.muli %sub3A_974, %mul3A_975 : i32
      %add3A_977 = arith.addi %mul3A_2, %mul3A_976 : i32
      %dma_wait3A_978 = arith.constant 1 : i32
      %dma_wait3A_979 = arith.constant 1 : i32
      %dma_wait3A_980 = arith.constant 0 : i32
      %dma_wait3A_981 = arith.constant 0 : i32
      %dma_wait3A_982 = tpu.memref_slice %arg6[%dma_wait3A_978, %dma_wait3A_980, %dma_wait3A_981] : memref<5x128x128xf32, #tpu.memory_space<vmem>> -> memref<1x128x128xf32, #tpu.memory_space<vmem>>
      %dma_wait3A_983 = tpu.memref_squeeze %dma_wait3A_982 : memref<1x128x128xf32, #tpu.memory_space<vmem>> -> memref<128x128xf32, #tpu.memory_space<vmem>>
      %dma_wait3A_984 = arith.constant 0 : i32
      %dma_wait3A_985 = tpu.memref_slice %arg4[%add3A_977, %dma_wait3A_984] : memref<819200x128xf32, #tpu.memory_space<hbm>> -> memref<128x128xf32, #tpu.memory_space<hbm>>
      %dma_wait3A_986 = tpu.memref_slice %arg9[%dma_wait3A_979] : memref<5x!tpu.dma_semaphore, #tpu.memory_space<semaphore_mem>> -> memref<1x!tpu.dma_semaphore, #tpu.memory_space<semaphore_mem>>
      %dma_wait3A_987 = tpu.memref_squeeze %dma_wait3A_986 : memref<1x!tpu.dma_semaphore, #tpu.memory_space<semaphore_mem>> -> memref<!tpu.dma_semaphore, #tpu.memory_space<semaphore_mem>>
      %dma_wait3A_988 = arith.constant 0 : i32
      %dma_wait3A_989 = tpu.memref_slice %arg4[%add3A_977, %dma_wait3A_988] : memref<819200x128xf32, #tpu.memory_space<hbm>> -> memref<128x128xf32, #tpu.memory_space<hbm>>
      %dma_wait3A_990 = arith.constant 0 : i32
      %dma_wait3A_991 = arith.constant 0 : i32
      %dma_wait3A_992 = tpu.memref_slice %arg6[%dma_wait3A_978, %dma_wait3A_990, %dma_wait3A_991] : memref<5x128x128xf32, #tpu.memory_space<vmem>> -> memref<1x128x128xf32, #tpu.memory_space<vmem>>
      %dma_wait3A_993 = tpu.memref_squeeze %dma_wait3A_992 : memref<1x128x128xf32, #tpu.memory_space<vmem>> -> memref<128x128xf32, #tpu.memory_space<vmem>>
      tpu.wait_dma2 semaphore(%dma_wait3A_987 : memref<!tpu.dma_semaphore, #tpu.memory_space<semaphore_mem>>) src(%dma_wait3A_993 : memref<128x128xf32, #tpu.memory_space<vmem>>) dst(%dma_wait3A_989 : memref<128x128xf32, #tpu.memory_space<hbm>>)
      %add3A_994 = arith.constant 2 : i32
      %add3A_995 = arith.addi %add3A_937, %add3A_994 : i32
      %mul3A_996 = arith.constant 128 : i32
      %mul3A_997 = arith.muli %add3A_995, %mul3A_996 : i32
      %dma_start3A_998 = arith.constant 1 : i32
      %dma_start3A_999 = arith.constant 1 : i32
      %dma_start3A_1000 = arith.constant 0 : i32
      %dma_start3A_1001 = arith.constant 0 : i32
      %dma_start3A_1002 = tpu.memref_slice %arg6[%dma_start3A_998, %dma_start3A_1000, %dma_start3A_1001] : memref<5x128x128xf32, #tpu.memory_space<vmem>> -> memref<1x128x128xf32, #tpu.memory_space<vmem>>
      %dma_start3A_1003 = tpu.memref_squeeze %dma_start3A_1002 : memref<1x128x128xf32, #tpu.memory_space<vmem>> -> memref<128x128xf32, #tpu.memory_space<vmem>>
      %dma_start3A_1004 = tpu.memref_slice %arg5[%mul3A_997] : memref<25600xi32, #tpu.memory_space<vmem>> -> memref<128xi32, #tpu.memory_space<vmem>>
      %dma_start3A_1005 = arith.constant 0 : i32
      %dma_start3A_1006 = arith.constant 0 : i32
      %dma_start3A_1007 = tpu.memref_slice %arg3[%dma_start3A_1005, %dma_start3A_1006] : memref<100000x128xf32, #tpu.memory_space<hbm>> -> memref<100000x128xf32, #tpu.memory_space<hbm>>
      %dma_start3A_1008 = tpu.memref_slice %arg8[%dma_start3A_999] : memref<5x!tpu.dma_semaphore, #tpu.memory_space<semaphore_mem>> -> memref<1x!tpu.dma_semaphore, #tpu.memory_space<semaphore_mem>>
      %dma_start3A_1009 = tpu.memref_squeeze %dma_start3A_1008 : memref<1x!tpu.dma_semaphore, #tpu.memory_space<semaphore_mem>> -> memref<!tpu.dma_semaphore, #tpu.memory_space<semaphore_mem>>
      tpu.enqueue_indirect_dma source(%dma_start3A_1007 : memref<100000x128xf32, #tpu.memory_space<hbm>>) target(%dma_start3A_1003 : memref<128x128xf32, #tpu.memory_space<vmem>>) offsets(%dma_start3A_1004 : memref<128xi32, #tpu.memory_space<vmem>>) semaphore(%dma_start3A_1009 : memref<!tpu.dma_semaphore, #tpu.memory_space<semaphore_mem>>)
    }
    %scan3A_291 = arith.constant 38 : i32
    %dma_wait3A_292 = arith.constant 0 : i32
    %dma_wait3A_293 = arith.constant 0 : i32
    %dma_wait3A_294 = arith.constant 0 : i32
    %dma_wait3A_295 = arith.constant 0 : i32
    %dma_wait3A_296 = tpu.memref_slice %arg6[%dma_wait3A_292, %dma_wait3A_294, %dma_wait3A_295] : memref<5x128x128xf32, #tpu.memory_space<vmem>> -> memref<1x128x128xf32, #tpu.memory_space<vmem>>
    %dma_wait3A_297 = tpu.memref_squeeze %dma_wait3A_296 : memref<1x128x128xf32, #tpu.memory_space<vmem>> -> memref<128x128xf32, #tpu.memory_space<vmem>>
    %dma_wait3A_298 = arith.constant 24960 : i32
    %dma_wait3A_299 = tpu.memref_slice %arg5[%dma_wait3A_298] : memref<25600xi32, #tpu.memory_space<vmem>> -> memref<128xi32, #tpu.memory_space<vmem>>
    %dma_wait3A_300 = arith.constant 0 : i32
    %dma_wait3A_301 = arith.constant 0 : i32
    %dma_wait3A_302 = tpu.memref_slice %arg3[%dma_wait3A_300, %dma_wait3A_301] : memref<100000x128xf32, #tpu.memory_space<hbm>> -> memref<100000x128xf32, #tpu.memory_space<hbm>>
    %dma_wait3A_303 = tpu.memref_slice %arg8[%dma_wait3A_293] : memref<5x!tpu.dma_semaphore, #tpu.memory_space<semaphore_mem>> -> memref<1x!tpu.dma_semaphore, #tpu.memory_space<semaphore_mem>>
    %dma_wait3A_304 = tpu.memref_squeeze %dma_wait3A_303 : memref<1x!tpu.dma_semaphore, #tpu.memory_space<semaphore_mem>> -> memref<!tpu.dma_semaphore, #tpu.memory_space<semaphore_mem>>
    tpu.wait_indirect_dma semaphore(%dma_wait3A_304 : memref<!tpu.dma_semaphore, #tpu.memory_space<semaphore_mem>>) src(%dma_wait3A_302 : memref<100000x128xf32, #tpu.memory_space<hbm>>) dst(%dma_wait3A_297 : memref<128x128xf32, #tpu.memory_space<vmem>>)
    %add3A_305 = arith.constant 24960 : i32
    %add3A_306 = arith.addi %mul3A_2, %add3A_305 : i32
    %dma_start3A_307 = arith.constant 0 : i32
    %dma_start3A_308 = arith.constant 0 : i32
    %dma_start3A_309 = arith.constant 0 : i32
    %dma_start3A_310 = arith.constant 0 : i32
    %dma_start3A_311 = tpu.memref_slice %arg6[%dma_start3A_307, %dma_start3A_309, %dma_start3A_310] : memref<5x128x128xf32, #tpu.memory_space<vmem>> -> memref<1x128x128xf32, #tpu.memory_space<vmem>>
    %dma_start3A_312 = tpu.memref_squeeze %dma_start3A_311 : memref<1x128x128xf32, #tpu.memory_space<vmem>> -> memref<128x128xf32, #tpu.memory_space<vmem>>
    %dma_start3A_313 = arith.constant 0 : i32
    %dma_start3A_314 = tpu.memref_slice %arg4[%add3A_306, %dma_start3A_313] : memref<819200x128xf32, #tpu.memory_space<hbm>> -> memref<128x128xf32, #tpu.memory_space<hbm>>
    %dma_start3A_315 = tpu.memref_slice %arg9[%dma_start3A_308] : memref<5x!tpu.dma_semaphore, #tpu.memory_space<semaphore_mem>> -> memref<1x!tpu.dma_semaphore, #tpu.memory_space<semaphore_mem>>
    %dma_start3A_316 = tpu.memref_squeeze %dma_start3A_315 : memref<1x!tpu.dma_semaphore, #tpu.memory_space<semaphore_mem>> -> memref<!tpu.dma_semaphore, #tpu.memory_space<semaphore_mem>>
    %dma_start3A_317 = arith.constant 0 : i32
    %dma_start3A_318 = tpu.memref_slice %arg4[%add3A_306, %dma_start3A_317] : memref<819200x128xf32, #tpu.memory_space<hbm>> -> memref<128x128xf32, #tpu.memory_space<hbm>>
    %dma_start3A_319 = arith.constant 0 : i32
    %dma_start3A_320 = arith.constant 0 : i32
    %dma_start3A_321 = tpu.memref_slice %arg6[%dma_start3A_307, %dma_start3A_319, %dma_start3A_320] : memref<5x128x128xf32, #tpu.memory_space<vmem>> -> memref<1x128x128xf32, #tpu.memory_space<vmem>>
    %dma_start3A_322 = tpu.memref_squeeze %dma_start3A_321 : memref<1x128x128xf32, #tpu.memory_space<vmem>> -> memref<128x128xf32, #tpu.memory_space<vmem>>
    tpu.enqueue_dma source(%dma_start3A_322 : memref<128x128xf32, #tpu.memory_space<vmem>>) target(%dma_start3A_318 : memref<128x128xf32, #tpu.memory_space<hbm>>) target_semaphore(%dma_start3A_316 : memref<!tpu.dma_semaphore, #tpu.memory_space<semaphore_mem>>)
    %add3A_323 = arith.constant 24576 : i32
    %add3A_324 = arith.addi %mul3A_2, %add3A_323 : i32
    %dma_wait3A_325 = arith.constant 2 : i32
    %dma_wait3A_326 = arith.constant 2 : i32
    %dma_wait3A_327 = arith.constant 0 : i32
    %dma_wait3A_328 = arith.constant 0 : i32
    %dma_wait3A_329 = tpu.memref_slice %arg6[%dma_wait3A_325, %dma_wait3A_327, %dma_wait3A_328] : memref<5x128x128xf32, #tpu.memory_space<vmem>> -> memref<1x128x128xf32, #tpu.memory_space<vmem>>
    %dma_wait3A_330 = tpu.memref_squeeze %dma_wait3A_329 : memref<1x128x128xf32, #tpu.memory_space<vmem>> -> memref<128x128xf32, #tpu.memory_space<vmem>>
    %dma_wait3A_331 = arith.constant 0 : i32
    %dma_wait3A_332 = tpu.memref_slice %arg4[%add3A_324, %dma_wait3A_331] : memref<819200x128xf32, #tpu.memory_space<hbm>> -> memref<128x128xf32, #tpu.memory_space<hbm>>
    %dma_wait3A_333 = tpu.memref_slice %arg9[%dma_wait3A_326] : memref<5x!tpu.dma_semaphore, #tpu.memory_space<semaphore_mem>> -> memref<1x!tpu.dma_semaphore, #tpu.memory_space<semaphore_mem>>
    %dma_wait3A_334 = tpu.memref_squeeze %dma_wait3A_333 : memref<1x!tpu.dma_semaphore, #tpu.memory_space<semaphore_mem>> -> memref<!tpu.dma_semaphore, #tpu.memory_space<semaphore_mem>>
    %dma_wait3A_335 = arith.constant 0 : i32
    %dma_wait3A_336 = tpu.memref_slice %arg4[%add3A_324, %dma_wait3A_335] : memref<819200x128xf32, #tpu.memory_space<hbm>> -> memref<128x128xf32, #tpu.memory_space<hbm>>
    %dma_wait3A_337 = arith.constant 0 : i32
    %dma_wait3A_338 = arith.constant 0 : i32
    %dma_wait3A_339 = tpu.memref_slice %arg6[%dma_wait3A_325, %dma_wait3A_337, %dma_wait3A_338] : memref<5x128x128xf32, #tpu.memory_space<vmem>> -> memref<1x128x128xf32, #tpu.memory_space<vmem>>
    %dma_wait3A_340 = tpu.memref_squeeze %dma_wait3A_339 : memref<1x128x128xf32, #tpu.memory_space<vmem>> -> memref<128x128xf32, #tpu.memory_space<vmem>>
    tpu.wait_dma2 semaphore(%dma_wait3A_334 : memref<!tpu.dma_semaphore, #tpu.memory_space<semaphore_mem>>) src(%dma_wait3A_340 : memref<128x128xf32, #tpu.memory_space<vmem>>) dst(%dma_wait3A_336 : memref<128x128xf32, #tpu.memory_space<hbm>>)
    %dma_start3A_341 = arith.constant 2 : i32
    %dma_start3A_342 = arith.constant 2 : i32
    %dma_start3A_343 = arith.constant 0 : i32
    %dma_start3A_344 = arith.constant 0 : i32
    %dma_start3A_345 = tpu.memref_slice %arg6[%dma_start3A_341, %dma_start3A_343, %dma_start3A_344] : memref<5x128x128xf32, #tpu.memory_space<vmem>> -> memref<1x128x128xf32, #tpu.memory_space<vmem>>
    %dma_start3A_346 = tpu.memref_squeeze %dma_start3A_345 : memref<1x128x128xf32, #tpu.memory_space<vmem>> -> memref<128x128xf32, #tpu.memory_space<vmem>>
    %dma_start3A_347 = arith.constant 25216 : i32
    %dma_start3A_348 = tpu.memref_slice %arg5[%dma_start3A_347] : memref<25600xi32, #tpu.memory_space<vmem>> -> memref<128xi32, #tpu.memory_space<vmem>>
    %dma_start3A_349 = arith.constant 0 : i32
    %dma_start3A_350 = arith.constant 0 : i32
    %dma_start3A_351 = tpu.memref_slice %arg3[%dma_start3A_349, %dma_start3A_350] : memref<100000x128xf32, #tpu.memory_space<hbm>> -> memref<100000x128xf32, #tpu.memory_space<hbm>>
    %dma_start3A_352 = tpu.memref_slice %arg8[%dma_start3A_342] : memref<5x!tpu.dma_semaphore, #tpu.memory_space<semaphore_mem>> -> memref<1x!tpu.dma_semaphore, #tpu.memory_space<semaphore_mem>>
    %dma_start3A_353 = tpu.memref_squeeze %dma_start3A_352 : memref<1x!tpu.dma_semaphore, #tpu.memory_space<semaphore_mem>> -> memref<!tpu.dma_semaphore, #tpu.memory_space<semaphore_mem>>
    tpu.enqueue_indirect_dma source(%dma_start3A_351 : memref<100000x128xf32, #tpu.memory_space<hbm>>) target(%dma_start3A_346 : memref<128x128xf32, #tpu.memory_space<vmem>>) offsets(%dma_start3A_348 : memref<128xi32, #tpu.memory_space<vmem>>) semaphore(%dma_start3A_353 : memref<!tpu.dma_semaphore, #tpu.memory_space<semaphore_mem>>)
    %dma_wait3A_354 = arith.constant 1 : i32
    %dma_wait3A_355 = arith.constant 1 : i32
    %dma_wait3A_356 = arith.constant 0 : i32
    %dma_wait3A_357 = arith.constant 0 : i32
    %dma_wait3A_358 = tpu.memref_slice %arg6[%dma_wait3A_354, %dma_wait3A_356, %dma_wait3A_357] : memref<5x128x128xf32, #tpu.memory_space<vmem>> -> memref<1x128x128xf32, #tpu.memory_space<vmem>>
    %dma_wait3A_359 = tpu.memref_squeeze %dma_wait3A_358 : memref<1x128x128xf32, #tpu.memory_space<vmem>> -> memref<128x128xf32, #tpu.memory_space<vmem>>
    %dma_wait3A_360 = arith.constant 25088 : i32
    %dma_wait3A_361 = tpu.memref_slice %arg5[%dma_wait3A_360] : memref<25600xi32, #tpu.memory_space<vmem>> -> memref<128xi32, #tpu.memory_space<vmem>>
    %dma_wait3A_362 = arith.constant 0 : i32
    %dma_wait3A_363 = arith.constant 0 : i32
    %dma_wait3A_364 = tpu.memref_slice %arg3[%dma_wait3A_362, %dma_wait3A_363] : memref<100000x128xf32, #tpu.memory_space<hbm>> -> memref<100000x128xf32, #tpu.memory_space<hbm>>
    %dma_wait3A_365 = tpu.memref_slice %arg8[%dma_wait3A_355] : memref<5x!tpu.dma_semaphore, #tpu.memory_space<semaphore_mem>> -> memref<1x!tpu.dma_semaphore, #tpu.memory_space<semaphore_mem>>
    %dma_wait3A_366 = tpu.memref_squeeze %dma_wait3A_365 : memref<1x!tpu.dma_semaphore, #tpu.memory_space<semaphore_mem>> -> memref<!tpu.dma_semaphore, #tpu.memory_space<semaphore_mem>>
    tpu.wait_indirect_dma semaphore(%dma_wait3A_366 : memref<!tpu.dma_semaphore, #tpu.memory_space<semaphore_mem>>) src(%dma_wait3A_364 : memref<100000x128xf32, #tpu.memory_space<hbm>>) dst(%dma_wait3A_359 : memref<128x128xf32, #tpu.memory_space<vmem>>)
    %add3A_367 = arith.constant 25088 : i32
    %add3A_368 = arith.addi %mul3A_2, %add3A_367 : i32
    %dma_start3A_369 = arith.constant 1 : i32
    %dma_start3A_370 = arith.constant 1 : i32
    %dma_start3A_371 = arith.constant 0 : i32
    %dma_start3A_372 = arith.constant 0 : i32
    %dma_start3A_373 = tpu.memref_slice %arg6[%dma_start3A_369, %dma_start3A_371, %dma_start3A_372] : memref<5x128x128xf32, #tpu.memory_space<vmem>> -> memref<1x128x128xf32, #tpu.memory_space<vmem>>
    %dma_start3A_374 = tpu.memref_squeeze %dma_start3A_373 : memref<1x128x128xf32, #tpu.memory_space<vmem>> -> memref<128x128xf32, #tpu.memory_space<vmem>>
    %dma_start3A_375 = arith.constant 0 : i32
    %dma_start3A_376 = tpu.memref_slice %arg4[%add3A_368, %dma_start3A_375] : memref<819200x128xf32, #tpu.memory_space<hbm>> -> memref<128x128xf32, #tpu.memory_space<hbm>>
    %dma_start3A_377 = tpu.memref_slice %arg9[%dma_start3A_370] : memref<5x!tpu.dma_semaphore, #tpu.memory_space<semaphore_mem>> -> memref<1x!tpu.dma_semaphore, #tpu.memory_space<semaphore_mem>>
    %dma_start3A_378 = tpu.memref_squeeze %dma_start3A_377 : memref<1x!tpu.dma_semaphore, #tpu.memory_space<semaphore_mem>> -> memref<!tpu.dma_semaphore, #tpu.memory_space<semaphore_mem>>
    %dma_start3A_379 = arith.constant 0 : i32
    %dma_start3A_380 = tpu.memref_slice %arg4[%add3A_368, %dma_start3A_379] : memref<819200x128xf32, #tpu.memory_space<hbm>> -> memref<128x128xf32, #tpu.memory_space<hbm>>
    %dma_start3A_381 = arith.constant 0 : i32
    %dma_start3A_382 = arith.constant 0 : i32
    %dma_start3A_383 = tpu.memref_slice %arg6[%dma_start3A_369, %dma_start3A_381, %dma_start3A_382] : memref<5x128x128xf32, #tpu.memory_space<vmem>> -> memref<1x128x128xf32, #tpu.memory_space<vmem>>
    %dma_start3A_384 = tpu.memref_squeeze %dma_start3A_383 : memref<1x128x128xf32, #tpu.memory_space<vmem>> -> memref<128x128xf32, #tpu.memory_space<vmem>>
    tpu.enqueue_dma source(%dma_start3A_384 : memref<128x128xf32, #tpu.memory_space<vmem>>) target(%dma_start3A_380 : memref<128x128xf32, #tpu.memory_space<hbm>>) target_semaphore(%dma_start3A_378 : memref<!tpu.dma_semaphore, #tpu.memory_space<semaphore_mem>>)
    %add3A_385 = arith.constant 24704 : i32
    %add3A_386 = arith.addi %mul3A_2, %add3A_385 : i32
    %dma_wait3A_387 = arith.constant 3 : i32
    %dma_wait3A_388 = arith.constant 3 : i32
    %dma_wait3A_389 = arith.constant 0 : i32
    %dma_wait3A_390 = arith.constant 0 : i32
    %dma_wait3A_391 = tpu.memref_slice %arg6[%dma_wait3A_387, %dma_wait3A_389, %dma_wait3A_390] : memref<5x128x128xf32, #tpu.memory_space<vmem>> -> memref<1x128x128xf32, #tpu.memory_space<vmem>>
    %dma_wait3A_392 = tpu.memref_squeeze %dma_wait3A_391 : memref<1x128x128xf32, #tpu.memory_space<vmem>> -> memref<128x128xf32, #tpu.memory_space<vmem>>
    %dma_wait3A_393 = arith.constant 0 : i32
    %dma_wait3A_394 = tpu.memref_slice %arg4[%add3A_386, %dma_wait3A_393] : memref<819200x128xf32, #tpu.memory_space<hbm>> -> memref<128x128xf32, #tpu.memory_space<hbm>>
    %dma_wait3A_395 = tpu.memref_slice %arg9[%dma_wait3A_388] : memref<5x!tpu.dma_semaphore, #tpu.memory_space<semaphore_mem>> -> memref<1x!tpu.dma_semaphore, #tpu.memory_space<semaphore_mem>>
    %dma_wait3A_396 = tpu.memref_squeeze %dma_wait3A_395 : memref<1x!tpu.dma_semaphore, #tpu.memory_space<semaphore_mem>> -> memref<!tpu.dma_semaphore, #tpu.memory_space<semaphore_mem>>
    %dma_wait3A_397 = arith.constant 0 : i32
    %dma_wait3A_398 = tpu.memref_slice %arg4[%add3A_386, %dma_wait3A_397] : memref<819200x128xf32, #tpu.memory_space<hbm>> -> memref<128x128xf32, #tpu.memory_space<hbm>>
    %dma_wait3A_399 = arith.constant 0 : i32
    %dma_wait3A_400 = arith.constant 0 : i32
    %dma_wait3A_401 = tpu.memref_slice %arg6[%dma_wait3A_387, %dma_wait3A_399, %dma_wait3A_400] : memref<5x128x128xf32, #tpu.memory_space<vmem>> -> memref<1x128x128xf32, #tpu.memory_space<vmem>>
    %dma_wait3A_402 = tpu.memref_squeeze %dma_wait3A_401 : memref<1x128x128xf32, #tpu.memory_space<vmem>> -> memref<128x128xf32, #tpu.memory_space<vmem>>
    tpu.wait_dma2 semaphore(%dma_wait3A_396 : memref<!tpu.dma_semaphore, #tpu.memory_space<semaphore_mem>>) src(%dma_wait3A_402 : memref<128x128xf32, #tpu.memory_space<vmem>>) dst(%dma_wait3A_398 : memref<128x128xf32, #tpu.memory_space<hbm>>)
    %dma_start3A_403 = arith.constant 3 : i32
    %dma_start3A_404 = arith.constant 3 : i32
    %dma_start3A_405 = arith.constant 0 : i32
    %dma_start3A_406 = arith.constant 0 : i32
    %dma_start3A_407 = tpu.memref_slice %arg6[%dma_start3A_403, %dma_start3A_405, %dma_start3A_406] : memref<5x128x128xf32, #tpu.memory_space<vmem>> -> memref<1x128x128xf32, #tpu.memory_space<vmem>>
    %dma_start3A_408 = tpu.memref_squeeze %dma_start3A_407 : memref<1x128x128xf32, #tpu.memory_space<vmem>> -> memref<128x128xf32, #tpu.memory_space<vmem>>
    %dma_start3A_409 = arith.constant 25344 : i32
    %dma_start3A_410 = tpu.memref_slice %arg5[%dma_start3A_409] : memref<25600xi32, #tpu.memory_space<vmem>> -> memref<128xi32, #tpu.memory_space<vmem>>
    %dma_start3A_411 = arith.constant 0 : i32
    %dma_start3A_412 = arith.constant 0 : i32
    %dma_start3A_413 = tpu.memref_slice %arg3[%dma_start3A_411, %dma_start3A_412] : memref<100000x128xf32, #tpu.memory_space<hbm>> -> memref<100000x128xf32, #tpu.memory_space<hbm>>
    %dma_start3A_414 = tpu.memref_slice %arg8[%dma_start3A_404] : memref<5x!tpu.dma_semaphore, #tpu.memory_space<semaphore_mem>> -> memref<1x!tpu.dma_semaphore, #tpu.memory_space<semaphore_mem>>
    %dma_start3A_415 = tpu.memref_squeeze %dma_start3A_414 : memref<1x!tpu.dma_semaphore, #tpu.memory_space<semaphore_mem>> -> memref<!tpu.dma_semaphore, #tpu.memory_space<semaphore_mem>>
    tpu.enqueue_indirect_dma source(%dma_start3A_413 : memref<100000x128xf32, #tpu.memory_space<hbm>>) target(%dma_start3A_408 : memref<128x128xf32, #tpu.memory_space<vmem>>) offsets(%dma_start3A_410 : memref<128xi32, #tpu.memory_space<vmem>>) semaphore(%dma_start3A_415 : memref<!tpu.dma_semaphore, #tpu.memory_space<semaphore_mem>>)
    %dma_wait3A_416 = arith.constant 2 : i32
    %dma_wait3A_417 = arith.constant 2 : i32
    %dma_wait3A_418 = arith.constant 0 : i32
    %dma_wait3A_419 = arith.constant 0 : i32
    %dma_wait3A_420 = tpu.memref_slice %arg6[%dma_wait3A_416, %dma_wait3A_418, %dma_wait3A_419] : memref<5x128x128xf32, #tpu.memory_space<vmem>> -> memref<1x128x128xf32, #tpu.memory_space<vmem>>
    %dma_wait3A_421 = tpu.memref_squeeze %dma_wait3A_420 : memref<1x128x128xf32, #tpu.memory_space<vmem>> -> memref<128x128xf32, #tpu.memory_space<vmem>>
    %dma_wait3A_422 = arith.constant 25216 : i32
    %dma_wait3A_423 = tpu.memref_slice %arg5[%dma_wait3A_422] : memref<25600xi32, #tpu.memory_space<vmem>> -> memref<128xi32, #tpu.memory_space<vmem>>
    %dma_wait3A_424 = arith.constant 0 : i32
    %dma_wait3A_425 = arith.constant 0 : i32
    %dma_wait3A_426 = tpu.memref_slice %arg3[%dma_wait3A_424, %dma_wait3A_425] : memref<100000x128xf32, #tpu.memory_space<hbm>> -> memref<100000x128xf32, #tpu.memory_space<hbm>>
    %dma_wait3A_427 = tpu.memref_slice %arg8[%dma_wait3A_417] : memref<5x!tpu.dma_semaphore, #tpu.memory_space<semaphore_mem>> -> memref<1x!tpu.dma_semaphore, #tpu.memory_space<semaphore_mem>>
    %dma_wait3A_428 = tpu.memref_squeeze %dma_wait3A_427 : memref<1x!tpu.dma_semaphore, #tpu.memory_space<semaphore_mem>> -> memref<!tpu.dma_semaphore, #tpu.memory_space<semaphore_mem>>
    tpu.wait_indirect_dma semaphore(%dma_wait3A_428 : memref<!tpu.dma_semaphore, #tpu.memory_space<semaphore_mem>>) src(%dma_wait3A_426 : memref<100000x128xf32, #tpu.memory_space<hbm>>) dst(%dma_wait3A_421 : memref<128x128xf32, #tpu.memory_space<vmem>>)
    %add3A_429 = arith.constant 25216 : i32
    %add3A_430 = arith.addi %mul3A_2, %add3A_429 : i32
    %dma_start3A_431 = arith.constant 2 : i32
    %dma_start3A_432 = arith.constant 2 : i32
    %dma_start3A_433 = arith.constant 0 : i32
    %dma_start3A_434 = arith.constant 0 : i32
    %dma_start3A_435 = tpu.memref_slice %arg6[%dma_start3A_431, %dma_start3A_433, %dma_start3A_434] : memref<5x128x128xf32, #tpu.memory_space<vmem>> -> memref<1x128x128xf32, #tpu.memory_space<vmem>>
    %dma_start3A_436 = tpu.memref_squeeze %dma_start3A_435 : memref<1x128x128xf32, #tpu.memory_space<vmem>> -> memref<128x128xf32, #tpu.memory_space<vmem>>
    %dma_start3A_437 = arith.constant 0 : i32
    %dma_start3A_438 = tpu.memref_slice %arg4[%add3A_430, %dma_start3A_437] : memref<819200x128xf32, #tpu.memory_space<hbm>> -> memref<128x128xf32, #tpu.memory_space<hbm>>
    %dma_start3A_439 = tpu.memref_slice %arg9[%dma_start3A_432] : memref<5x!tpu.dma_semaphore, #tpu.memory_space<semaphore_mem>> -> memref<1x!tpu.dma_semaphore, #tpu.memory_space<semaphore_mem>>
    %dma_start3A_440 = tpu.memref_squeeze %dma_start3A_439 : memref<1x!tpu.dma_semaphore, #tpu.memory_space<semaphore_mem>> -> memref<!tpu.dma_semaphore, #tpu.memory_space<semaphore_mem>>
    %dma_start3A_441 = arith.constant 0 : i32
    %dma_start3A_442 = tpu.memref_slice %arg4[%add3A_430, %dma_start3A_441] : memref<819200x128xf32, #tpu.memory_space<hbm>> -> memref<128x128xf32, #tpu.memory_space<hbm>>
    %dma_start3A_443 = arith.constant 0 : i32
    %dma_start3A_444 = arith.constant 0 : i32
    %dma_start3A_445 = tpu.memref_slice %arg6[%dma_start3A_431, %dma_start3A_443, %dma_start3A_444] : memref<5x128x128xf32, #tpu.memory_space<vmem>> -> memref<1x128x128xf32, #tpu.memory_space<vmem>>
    %dma_start3A_446 = tpu.memref_squeeze %dma_start3A_445 : memref<1x128x128xf32, #tpu.memory_space<vmem>> -> memref<128x128xf32, #tpu.memory_space<vmem>>
    tpu.enqueue_dma source(%dma_start3A_446 : memref<128x128xf32, #tpu.memory_space<vmem>>) target(%dma_start3A_442 : memref<128x128xf32, #tpu.memory_space<hbm>>) target_semaphore(%dma_start3A_440 : memref<!tpu.dma_semaphore, #tpu.memory_space<semaphore_mem>>)
    %add3A_447 = arith.constant 24832 : i32
    %add3A_448 = arith.addi %mul3A_2, %add3A_447 : i32
    %dma_wait3A_449 = arith.constant 4 : i32
    %dma_wait3A_450 = arith.constant 4 : i32
    %dma_wait3A_451 = arith.constant 0 : i32
    %dma_wait3A_452 = arith.constant 0 : i32
    %dma_wait3A_453 = tpu.memref_slice %arg6[%dma_wait3A_449, %dma_wait3A_451, %dma_wait3A_452] : memref<5x128x128xf32, #tpu.memory_space<vmem>> -> memref<1x128x128xf32, #tpu.memory_space<vmem>>
    %dma_wait3A_454 = tpu.memref_squeeze %dma_wait3A_453 : memref<1x128x128xf32, #tpu.memory_space<vmem>> -> memref<128x128xf32, #tpu.memory_space<vmem>>
    %dma_wait3A_455 = arith.constant 0 : i32
    %dma_wait3A_456 = tpu.memref_slice %arg4[%add3A_448, %dma_wait3A_455] : memref<819200x128xf32, #tpu.memory_space<hbm>> -> memref<128x128xf32, #tpu.memory_space<hbm>>
    %dma_wait3A_457 = tpu.memref_slice %arg9[%dma_wait3A_450] : memref<5x!tpu.dma_semaphore, #tpu.memory_space<semaphore_mem>> -> memref<1x!tpu.dma_semaphore, #tpu.memory_space<semaphore_mem>>
    %dma_wait3A_458 = tpu.memref_squeeze %dma_wait3A_457 : memref<1x!tpu.dma_semaphore, #tpu.memory_space<semaphore_mem>> -> memref<!tpu.dma_semaphore, #tpu.memory_space<semaphore_mem>>
    %dma_wait3A_459 = arith.constant 0 : i32
    %dma_wait3A_460 = tpu.memref_slice %arg4[%add3A_448, %dma_wait3A_459] : memref<819200x128xf32, #tpu.memory_space<hbm>> -> memref<128x128xf32, #tpu.memory_space<hbm>>
    %dma_wait3A_461 = arith.constant 0 : i32
    %dma_wait3A_462 = arith.constant 0 : i32
    %dma_wait3A_463 = tpu.memref_slice %arg6[%dma_wait3A_449, %dma_wait3A_461, %dma_wait3A_462] : memref<5x128x128xf32, #tpu.memory_space<vmem>> -> memref<1x128x128xf32, #tpu.memory_space<vmem>>
    %dma_wait3A_464 = tpu.memref_squeeze %dma_wait3A_463 : memref<1x128x128xf32, #tpu.memory_space<vmem>> -> memref<128x128xf32, #tpu.memory_space<vmem>>
    tpu.wait_dma2 semaphore(%dma_wait3A_458 : memref<!tpu.dma_semaphore, #tpu.memory_space<semaphore_mem>>) src(%dma_wait3A_464 : memref<128x128xf32, #tpu.memory_space<vmem>>) dst(%dma_wait3A_460 : memref<128x128xf32, #tpu.memory_space<hbm>>)
    %dma_start3A_465 = arith.constant 4 : i32
    %dma_start3A_466 = arith.constant 4 : i32
    %dma_start3A_467 = arith.constant 0 : i32
    %dma_start3A_468 = arith.constant 0 : i32
    %dma_start3A_469 = tpu.memref_slice %arg6[%dma_start3A_465, %dma_start3A_467, %dma_start3A_468] : memref<5x128x128xf32, #tpu.memory_space<vmem>> -> memref<1x128x128xf32, #tpu.memory_space<vmem>>
    %dma_start3A_470 = tpu.memref_squeeze %dma_start3A_469 : memref<1x128x128xf32, #tpu.memory_space<vmem>> -> memref<128x128xf32, #tpu.memory_space<vmem>>
    %dma_start3A_471 = arith.constant 25472 : i32
    %dma_start3A_472 = tpu.memref_slice %arg5[%dma_start3A_471] : memref<25600xi32, #tpu.memory_space<vmem>> -> memref<128xi32, #tpu.memory_space<vmem>>
    %dma_start3A_473 = arith.constant 0 : i32
    %dma_start3A_474 = arith.constant 0 : i32
    %dma_start3A_475 = tpu.memref_slice %arg3[%dma_start3A_473, %dma_start3A_474] : memref<100000x128xf32, #tpu.memory_space<hbm>> -> memref<100000x128xf32, #tpu.memory_space<hbm>>
    %dma_start3A_476 = tpu.memref_slice %arg8[%dma_start3A_466] : memref<5x!tpu.dma_semaphore, #tpu.memory_space<semaphore_mem>> -> memref<1x!tpu.dma_semaphore, #tpu.memory_space<semaphore_mem>>
    %dma_start3A_477 = tpu.memref_squeeze %dma_start3A_476 : memref<1x!tpu.dma_semaphore, #tpu.memory_space<semaphore_mem>> -> memref<!tpu.dma_semaphore, #tpu.memory_space<semaphore_mem>>
    tpu.enqueue_indirect_dma source(%dma_start3A_475 : memref<100000x128xf32, #tpu.memory_space<hbm>>) target(%dma_start3A_470 : memref<128x128xf32, #tpu.memory_space<vmem>>) offsets(%dma_start3A_472 : memref<128xi32, #tpu.memory_space<vmem>>) semaphore(%dma_start3A_477 : memref<!tpu.dma_semaphore, #tpu.memory_space<semaphore_mem>>)
    %dma_wait3A_478 = arith.constant 3 : i32
    %dma_wait3A_479 = arith.constant 3 : i32
    %dma_wait3A_480 = arith.constant 0 : i32
    %dma_wait3A_481 = arith.constant 0 : i32
    %dma_wait3A_482 = tpu.memref_slice %arg6[%dma_wait3A_478, %dma_wait3A_480, %dma_wait3A_481] : memref<5x128x128xf32, #tpu.memory_space<vmem>> -> memref<1x128x128xf32, #tpu.memory_space<vmem>>
    %dma_wait3A_483 = tpu.memref_squeeze %dma_wait3A_482 : memref<1x128x128xf32, #tpu.memory_space<vmem>> -> memref<128x128xf32, #tpu.memory_space<vmem>>
    %dma_wait3A_484 = arith.constant 25344 : i32
    %dma_wait3A_485 = tpu.memref_slice %arg5[%dma_wait3A_484] : memref<25600xi32, #tpu.memory_space<vmem>> -> memref<128xi32, #tpu.memory_space<vmem>>
    %dma_wait3A_486 = arith.constant 0 : i32
    %dma_wait3A_487 = arith.constant 0 : i32
    %dma_wait3A_488 = tpu.memref_slice %arg3[%dma_wait3A_486, %dma_wait3A_487] : memref<100000x128xf32, #tpu.memory_space<hbm>> -> memref<100000x128xf32, #tpu.memory_space<hbm>>
    %dma_wait3A_489 = tpu.memref_slice %arg8[%dma_wait3A_479] : memref<5x!tpu.dma_semaphore, #tpu.memory_space<semaphore_mem>> -> memref<1x!tpu.dma_semaphore, #tpu.memory_space<semaphore_mem>>
    %dma_wait3A_490 = tpu.memref_squeeze %dma_wait3A_489 : memref<1x!tpu.dma_semaphore, #tpu.memory_space<semaphore_mem>> -> memref<!tpu.dma_semaphore, #tpu.memory_space<semaphore_mem>>
    tpu.wait_indirect_dma semaphore(%dma_wait3A_490 : memref<!tpu.dma_semaphore, #tpu.memory_space<semaphore_mem>>) src(%dma_wait3A_488 : memref<100000x128xf32, #tpu.memory_space<hbm>>) dst(%dma_wait3A_483 : memref<128x128xf32, #tpu.memory_space<vmem>>)
    %add3A_491 = arith.constant 25344 : i32
    %add3A_492 = arith.addi %mul3A_2, %add3A_491 : i32
    %dma_start3A_493 = arith.constant 3 : i32
    %dma_start3A_494 = arith.constant 3 : i32
    %dma_start3A_495 = arith.constant 0 : i32
    %dma_start3A_496 = arith.constant 0 : i32
    %dma_start3A_497 = tpu.memref_slice %arg6[%dma_start3A_493, %dma_start3A_495, %dma_start3A_496] : memref<5x128x128xf32, #tpu.memory_space<vmem>> -> memref<1x128x128xf32, #tpu.memory_space<vmem>>
    %dma_start3A_498 = tpu.memref_squeeze %dma_start3A_497 : memref<1x128x128xf32, #tpu.memory_space<vmem>> -> memref<128x128xf32, #tpu.memory_space<vmem>>
    %dma_start3A_499 = arith.constant 0 : i32
    %dma_start3A_500 = tpu.memref_slice %arg4[%add3A_492, %dma_start3A_499] : memref<819200x128xf32, #tpu.memory_space<hbm>> -> memref<128x128xf32, #tpu.memory_space<hbm>>
    %dma_start3A_501 = tpu.memref_slice %arg9[%dma_start3A_494] : memref<5x!tpu.dma_semaphore, #tpu.memory_space<semaphore_mem>> -> memref<1x!tpu.dma_semaphore, #tpu.memory_space<semaphore_mem>>
    %dma_start3A_502 = tpu.memref_squeeze %dma_start3A_501 : memref<1x!tpu.dma_semaphore, #tpu.memory_space<semaphore_mem>> -> memref<!tpu.dma_semaphore, #tpu.memory_space<semaphore_mem>>
    %dma_start3A_503 = arith.constant 0 : i32
    %dma_start3A_504 = tpu.memref_slice %arg4[%add3A_492, %dma_start3A_503] : memref<819200x128xf32, #tpu.memory_space<hbm>> -> memref<128x128xf32, #tpu.memory_space<hbm>>
    %dma_start3A_505 = arith.constant 0 : i32
    %dma_start3A_506 = arith.constant 0 : i32
    %dma_start3A_507 = tpu.memref_slice %arg6[%dma_start3A_493, %dma_start3A_505, %dma_start3A_506] : memref<5x128x128xf32, #tpu.memory_space<vmem>> -> memref<1x128x128xf32, #tpu.memory_space<vmem>>
    %dma_start3A_508 = tpu.memref_squeeze %dma_start3A_507 : memref<1x128x128xf32, #tpu.memory_space<vmem>> -> memref<128x128xf32, #tpu.memory_space<vmem>>
    tpu.enqueue_dma source(%dma_start3A_508 : memref<128x128xf32, #tpu.memory_space<vmem>>) target(%dma_start3A_504 : memref<128x128xf32, #tpu.memory_space<hbm>>) target_semaphore(%dma_start3A_502 : memref<!tpu.dma_semaphore, #tpu.memory_space<semaphore_mem>>)
    %add3A_509 = arith.constant 24960 : i32
    %add3A_510 = arith.addi %mul3A_2, %add3A_509 : i32
    %dma_wait3A_511 = arith.constant 0 : i32
    %dma_wait3A_512 = arith.constant 0 : i32
    %dma_wait3A_513 = arith.constant 0 : i32
    %dma_wait3A_514 = arith.constant 0 : i32
    %dma_wait3A_515 = tpu.memref_slice %arg6[%dma_wait3A_511, %dma_wait3A_513, %dma_wait3A_514] : memref<5x128x128xf32, #tpu.memory_space<vmem>> -> memref<1x128x128xf32, #tpu.memory_space<vmem>>
    %dma_wait3A_516 = tpu.memref_squeeze %dma_wait3A_515 : memref<1x128x128xf32, #tpu.memory_space<vmem>> -> memref<128x128xf32, #tpu.memory_space<vmem>>
    %dma_wait3A_517 = arith.constant 0 : i32
    %dma_wait3A_518 = tpu.memref_slice %arg4[%add3A_510, %dma_wait3A_517] : memref<819200x128xf32, #tpu.memory_space<hbm>> -> memref<128x128xf32, #tpu.memory_space<hbm>>
    %dma_wait3A_519 = tpu.memref_slice %arg9[%dma_wait3A_512] : memref<5x!tpu.dma_semaphore, #tpu.memory_space<semaphore_mem>> -> memref<1x!tpu.dma_semaphore, #tpu.memory_space<semaphore_mem>>
    %dma_wait3A_520 = tpu.memref_squeeze %dma_wait3A_519 : memref<1x!tpu.dma_semaphore, #tpu.memory_space<semaphore_mem>> -> memref<!tpu.dma_semaphore, #tpu.memory_space<semaphore_mem>>
    %dma_wait3A_521 = arith.constant 0 : i32
    %dma_wait3A_522 = tpu.memref_slice %arg4[%add3A_510, %dma_wait3A_521] : memref<819200x128xf32, #tpu.memory_space<hbm>> -> memref<128x128xf32, #tpu.memory_space<hbm>>
    %dma_wait3A_523 = arith.constant 0 : i32
    %dma_wait3A_524 = arith.constant 0 : i32
    %dma_wait3A_525 = tpu.memref_slice %arg6[%dma_wait3A_511, %dma_wait3A_523, %dma_wait3A_524] : memref<5x128x128xf32, #tpu.memory_space<vmem>> -> memref<1x128x128xf32, #tpu.memory_space<vmem>>
    %dma_wait3A_526 = tpu.memref_squeeze %dma_wait3A_525 : memref<1x128x128xf32, #tpu.memory_space<vmem>> -> memref<128x128xf32, #tpu.memory_space<vmem>>
    tpu.wait_dma2 semaphore(%dma_wait3A_520 : memref<!tpu.dma_semaphore, #tpu.memory_space<semaphore_mem>>) src(%dma_wait3A_526 : memref<128x128xf32, #tpu.memory_space<vmem>>) dst(%dma_wait3A_522 : memref<128x128xf32, #tpu.memory_space<hbm>>)
    %dma_wait3A_527 = arith.constant 4 : i32
    %dma_wait3A_528 = arith.constant 4 : i32
    %dma_wait3A_529 = arith.constant 0 : i32
    %dma_wait3A_530 = arith.constant 0 : i32
    %dma_wait3A_531 = tpu.memref_slice %arg6[%dma_wait3A_527, %dma_wait3A_529, %dma_wait3A_530] : memref<5x128x128xf32, #tpu.memory_space<vmem>> -> memref<1x128x128xf32, #tpu.memory_space<vmem>>
    %dma_wait3A_532 = tpu.memref_squeeze %dma_wait3A_531 : memref<1x128x128xf32, #tpu.memory_space<vmem>> -> memref<128x128xf32, #tpu.memory_space<vmem>>
    %dma_wait3A_533 = arith.constant 25472 : i32
    %dma_wait3A_534 = tpu.memref_slice %arg5[%dma_wait3A_533] : memref<25600xi32, #tpu.memory_space<vmem>> -> memref<128xi32, #tpu.memory_space<vmem>>
    %dma_wait3A_535 = arith.constant 0 : i32
    %dma_wait3A_536 = arith.constant 0 : i32
    %dma_wait3A_537 = tpu.memref_slice %arg3[%dma_wait3A_535, %dma_wait3A_536] : memref<100000x128xf32, #tpu.memory_space<hbm>> -> memref<100000x128xf32, #tpu.memory_space<hbm>>
    %dma_wait3A_538 = tpu.memref_slice %arg8[%dma_wait3A_528] : memref<5x!tpu.dma_semaphore, #tpu.memory_space<semaphore_mem>> -> memref<1x!tpu.dma_semaphore, #tpu.memory_space<semaphore_mem>>
    %dma_wait3A_539 = tpu.memref_squeeze %dma_wait3A_538 : memref<1x!tpu.dma_semaphore, #tpu.memory_space<semaphore_mem>> -> memref<!tpu.dma_semaphore, #tpu.memory_space<semaphore_mem>>
    tpu.wait_indirect_dma semaphore(%dma_wait3A_539 : memref<!tpu.dma_semaphore, #tpu.memory_space<semaphore_mem>>) src(%dma_wait3A_537 : memref<100000x128xf32, #tpu.memory_space<hbm>>) dst(%dma_wait3A_532 : memref<128x128xf32, #tpu.memory_space<vmem>>)
    %add3A_540 = arith.constant 25472 : i32
    %add3A_541 = arith.addi %mul3A_2, %add3A_540 : i32
    %dma_start3A_542 = arith.constant 4 : i32
    %dma_start3A_543 = arith.constant 4 : i32
    %dma_start3A_544 = arith.constant 0 : i32
    %dma_start3A_545 = arith.constant 0 : i32
    %dma_start3A_546 = tpu.memref_slice %arg6[%dma_start3A_542, %dma_start3A_544, %dma_start3A_545] : memref<5x128x128xf32, #tpu.memory_space<vmem>> -> memref<1x128x128xf32, #tpu.memory_space<vmem>>
    %dma_start3A_547 = tpu.memref_squeeze %dma_start3A_546 : memref<1x128x128xf32, #tpu.memory_space<vmem>> -> memref<128x128xf32, #tpu.memory_space<vmem>>
    %dma_start3A_548 = arith.constant 0 : i32
    %dma_start3A_549 = tpu.memref_slice %arg4[%add3A_541, %dma_start3A_548] : memref<819200x128xf32, #tpu.memory_space<hbm>> -> memref<128x128xf32, #tpu.memory_space<hbm>>
    %dma_start3A_550 = tpu.memref_slice %arg9[%dma_start3A_543] : memref<5x!tpu.dma_semaphore, #tpu.memory_space<semaphore_mem>> -> memref<1x!tpu.dma_semaphore, #tpu.memory_space<semaphore_mem>>
    %dma_start3A_551 = tpu.memref_squeeze %dma_start3A_550 : memref<1x!tpu.dma_semaphore, #tpu.memory_space<semaphore_mem>> -> memref<!tpu.dma_semaphore, #tpu.memory_space<semaphore_mem>>
    %dma_start3A_552 = arith.constant 0 : i32
    %dma_start3A_553 = tpu.memref_slice %arg4[%add3A_541, %dma_start3A_552] : memref<819200x128xf32, #tpu.memory_space<hbm>> -> memref<128x128xf32, #tpu.memory_space<hbm>>
    %dma_start3A_554 = arith.constant 0 : i32
    %dma_start3A_555 = arith.constant 0 : i32
    %dma_start3A_556 = tpu.memref_slice %arg6[%dma_start3A_542, %dma_start3A_554, %dma_start3A_555] : memref<5x128x128xf32, #tpu.memory_space<vmem>> -> memref<1x128x128xf32, #tpu.memory_space<vmem>>
    %dma_start3A_557 = tpu.memref_squeeze %dma_start3A_556 : memref<1x128x128xf32, #tpu.memory_space<vmem>> -> memref<128x128xf32, #tpu.memory_space<vmem>>
    tpu.enqueue_dma source(%dma_start3A_557 : memref<128x128xf32, #tpu.memory_space<vmem>>) target(%dma_start3A_553 : memref<128x128xf32, #tpu.memory_space<hbm>>) target_semaphore(%dma_start3A_551 : memref<!tpu.dma_semaphore, #tpu.memory_space<semaphore_mem>>)
    %add3A_558 = arith.constant 25088 : i32
    %add3A_559 = arith.addi %mul3A_2, %add3A_558 : i32
    %dma_wait3A_560 = arith.constant 1 : i32
    %dma_wait3A_561 = arith.constant 1 : i32
    %dma_wait3A_562 = arith.constant 0 : i32
    %dma_wait3A_563 = arith.constant 0 : i32
    %dma_wait3A_564 = tpu.memref_slice %arg6[%dma_wait3A_560, %dma_wait3A_562, %dma_wait3A_563] : memref<5x128x128xf32, #tpu.memory_space<vmem>> -> memref<1x128x128xf32, #tpu.memory_space<vmem>>
    %dma_wait3A_565 = tpu.memref_squeeze %dma_wait3A_564 : memref<1x128x128xf32, #tpu.memory_space<vmem>> -> memref<128x128xf32, #tpu.memory_space<vmem>>
    %dma_wait3A_566 = arith.constant 0 : i32
    %dma_wait3A_567 = tpu.memref_slice %arg4[%add3A_559, %dma_wait3A_566] : memref<819200x128xf32, #tpu.memory_space<hbm>> -> memref<128x128xf32, #tpu.memory_space<hbm>>
    %dma_wait3A_568 = tpu.memref_slice %arg9[%dma_wait3A_561] : memref<5x!tpu.dma_semaphore, #tpu.memory_space<semaphore_mem>> -> memref<1x!tpu.dma_semaphore, #tpu.memory_space<semaphore_mem>>
    %dma_wait3A_569 = tpu.memref_squeeze %dma_wait3A_568 : memref<1x!tpu.dma_semaphore, #tpu.memory_space<semaphore_mem>> -> memref<!tpu.dma_semaphore, #tpu.memory_space<semaphore_mem>>
    %dma_wait3A_570 = arith.constant 0 : i32
    %dma_wait3A_571 = tpu.memref_slice %arg4[%add3A_559, %dma_wait3A_570] : memref<819200x128xf32, #tpu.memory_space<hbm>> -> memref<128x128xf32, #tpu.memory_space<hbm>>
    %dma_wait3A_572 = arith.constant 0 : i32
    %dma_wait3A_573 = arith.constant 0 : i32
    %dma_wait3A_574 = tpu.memref_slice %arg6[%dma_wait3A_560, %dma_wait3A_572, %dma_wait3A_573] : memref<5x128x128xf32, #tpu.memory_space<vmem>> -> memref<1x128x128xf32, #tpu.memory_space<vmem>>
    %dma_wait3A_575 = tpu.memref_squeeze %dma_wait3A_574 : memref<1x128x128xf32, #tpu.memory_space<vmem>> -> memref<128x128xf32, #tpu.memory_space<vmem>>
    tpu.wait_dma2 semaphore(%dma_wait3A_569 : memref<!tpu.dma_semaphore, #tpu.memory_space<semaphore_mem>>) src(%dma_wait3A_575 : memref<128x128xf32, #tpu.memory_space<vmem>>) dst(%dma_wait3A_571 : memref<128x128xf32, #tpu.memory_space<hbm>>)
    %add3A_576 = arith.constant 25216 : i32
    %add3A_577 = arith.addi %mul3A_2, %add3A_576 : i32
    %dma_wait3A_578 = arith.constant 2 : i32
    %dma_wait3A_579 = arith.constant 2 : i32
    %dma_wait3A_580 = arith.constant 0 : i32
    %dma_wait3A_581 = arith.constant 0 : i32
    %dma_wait3A_582 = tpu.memref_slice %arg6[%dma_wait3A_578, %dma_wait3A_580, %dma_wait3A_581] : memref<5x128x128xf32, #tpu.memory_space<vmem>> -> memref<1x128x128xf32, #tpu.memory_space<vmem>>
    %dma_wait3A_583 = tpu.memref_squeeze %dma_wait3A_582 : memref<1x128x128xf32, #tpu.memory_space<vmem>> -> memref<128x128xf32, #tpu.memory_space<vmem>>
    %dma_wait3A_584 = arith.constant 0 : i32
    %dma_wait3A_585 = tpu.memref_slice %arg4[%add3A_577, %dma_wait3A_584] : memref<819200x128xf32, #tpu.memory_space<hbm>> -> memref<128x128xf32, #tpu.memory_space<hbm>>
    %dma_wait3A_586 = tpu.memref_slice %arg9[%dma_wait3A_579] : memref<5x!tpu.dma_semaphore, #tpu.memory_space<semaphore_mem>> -> memref<1x!tpu.dma_semaphore, #tpu.memory_space<semaphore_mem>>
    %dma_wait3A_587 = tpu.memref_squeeze %dma_wait3A_586 : memref<1x!tpu.dma_semaphore, #tpu.memory_space<semaphore_mem>> -> memref<!tpu.dma_semaphore, #tpu.memory_space<semaphore_mem>>
    %dma_wait3A_588 = arith.constant 0 : i32
    %dma_wait3A_589 = tpu.memref_slice %arg4[%add3A_577, %dma_wait3A_588] : memref<819200x128xf32, #tpu.memory_space<hbm>> -> memref<128x128xf32, #tpu.memory_space<hbm>>
    %dma_wait3A_590 = arith.constant 0 : i32
    %dma_wait3A_591 = arith.constant 0 : i32
    %dma_wait3A_592 = tpu.memref_slice %arg6[%dma_wait3A_578, %dma_wait3A_590, %dma_wait3A_591] : memref<5x128x128xf32, #tpu.memory_space<vmem>> -> memref<1x128x128xf32, #tpu.memory_space<vmem>>
    %dma_wait3A_593 = tpu.memref_squeeze %dma_wait3A_592 : memref<1x128x128xf32, #tpu.memory_space<vmem>> -> memref<128x128xf32, #tpu.memory_space<vmem>>
    tpu.wait_dma2 semaphore(%dma_wait3A_587 : memref<!tpu.dma_semaphore, #tpu.memory_space<semaphore_mem>>) src(%dma_wait3A_593 : memref<128x128xf32, #tpu.memory_space<vmem>>) dst(%dma_wait3A_589 : memref<128x128xf32, #tpu.memory_space<hbm>>)
    %add3A_594 = arith.constant 25344 : i32
    %add3A_595 = arith.addi %mul3A_2, %add3A_594 : i32
    %dma_wait3A_596 = arith.constant 3 : i32
    %dma_wait3A_597 = arith.constant 3 : i32
    %dma_wait3A_598 = arith.constant 0 : i32
    %dma_wait3A_599 = arith.constant 0 : i32
    %dma_wait3A_600 = tpu.memref_slice %arg6[%dma_wait3A_596, %dma_wait3A_598, %dma_wait3A_599] : memref<5x128x128xf32, #tpu.memory_space<vmem>> -> memref<1x128x128xf32, #tpu.memory_space<vmem>>
    %dma_wait3A_601 = tpu.memref_squeeze %dma_wait3A_600 : memref<1x128x128xf32, #tpu.memory_space<vmem>> -> memref<128x128xf32, #tpu.memory_space<vmem>>
    %dma_wait3A_602 = arith.constant 0 : i32
    %dma_wait3A_603 = tpu.memref_slice %arg4[%add3A_595, %dma_wait3A_602] : memref<819200x128xf32, #tpu.memory_space<hbm>> -> memref<128x128xf32, #tpu.memory_space<hbm>>
    %dma_wait3A_604 = tpu.memref_slice %arg9[%dma_wait3A_597] : memref<5x!tpu.dma_semaphore, #tpu.memory_space<semaphore_mem>> -> memref<1x!tpu.dma_semaphore, #tpu.memory_space<semaphore_mem>>
    %dma_wait3A_605 = tpu.memref_squeeze %dma_wait3A_604 : memref<1x!tpu.dma_semaphore, #tpu.memory_space<semaphore_mem>> -> memref<!tpu.dma_semaphore, #tpu.memory_space<semaphore_mem>>
    %dma_wait3A_606 = arith.constant 0 : i32
    %dma_wait3A_607 = tpu.memref_slice %arg4[%add3A_595, %dma_wait3A_606] : memref<819200x128xf32, #tpu.memory_space<hbm>> -> memref<128x128xf32, #tpu.memory_space<hbm>>
    %dma_wait3A_608 = arith.constant 0 : i32
    %dma_wait3A_609 = arith.constant 0 : i32
    %dma_wait3A_610 = tpu.memref_slice %arg6[%dma_wait3A_596, %dma_wait3A_608, %dma_wait3A_609] : memref<5x128x128xf32, #tpu.memory_space<vmem>> -> memref<1x128x128xf32, #tpu.memory_space<vmem>>
    %dma_wait3A_611 = tpu.memref_squeeze %dma_wait3A_610 : memref<1x128x128xf32, #tpu.memory_space<vmem>> -> memref<128x128xf32, #tpu.memory_space<vmem>>
    tpu.wait_dma2 semaphore(%dma_wait3A_605 : memref<!tpu.dma_semaphore, #tpu.memory_space<semaphore_mem>>) src(%dma_wait3A_611 : memref<128x128xf32, #tpu.memory_space<vmem>>) dst(%dma_wait3A_607 : memref<128x128xf32, #tpu.memory_space<hbm>>)
    %add3A_612 = arith.constant 25472 : i32
    %add3A_613 = arith.addi %mul3A_2, %add3A_612 : i32
    %dma_wait3A_614 = arith.constant 4 : i32
    %dma_wait3A_615 = arith.constant 4 : i32
    %dma_wait3A_616 = arith.constant 0 : i32
    %dma_wait3A_617 = arith.constant 0 : i32
    %dma_wait3A_618 = tpu.memref_slice %arg6[%dma_wait3A_614, %dma_wait3A_616, %dma_wait3A_617] : memref<5x128x128xf32, #tpu.memory_space<vmem>> -> memref<1x128x128xf32, #tpu.memory_space<vmem>>
    %dma_wait3A_619 = tpu.memref_squeeze %dma_wait3A_618 : memref<1x128x128xf32, #tpu.memory_space<vmem>> -> memref<128x128xf32, #tpu.memory_space<vmem>>
    %dma_wait3A_620 = arith.constant 0 : i32
    %dma_wait3A_621 = tpu.memref_slice %arg4[%add3A_613, %dma_wait3A_620] : memref<819200x128xf32, #tpu.memory_space<hbm>> -> memref<128x128xf32, #tpu.memory_space<hbm>>
    %dma_wait3A_622 = tpu.memref_slice %arg9[%dma_wait3A_615] : memref<5x!tpu.dma_semaphore, #tpu.memory_space<semaphore_mem>> -> memref<1x!tpu.dma_semaphore, #tpu.memory_space<semaphore_mem>>
    %dma_wait3A_623 = tpu.memref_squeeze %dma_wait3A_622 : memref<1x!tpu.dma_semaphore, #tpu.memory_space<semaphore_mem>> -> memref<!tpu.dma_semaphore, #tpu.memory_space<semaphore_mem>>
    %dma_wait3A_624 = arith.constant 0 : i32
    %dma_wait3A_625 = tpu.memref_slice %arg4[%add3A_613, %dma_wait3A_624] : memref<819200x128xf32, #tpu.memory_space<hbm>> -> memref<128x128xf32, #tpu.memory_space<hbm>>
    %dma_wait3A_626 = arith.constant 0 : i32
    %dma_wait3A_627 = arith.constant 0 : i32
    %dma_wait3A_628 = tpu.memref_slice %arg6[%dma_wait3A_614, %dma_wait3A_626, %dma_wait3A_627] : memref<5x128x128xf32, #tpu.memory_space<vmem>> -> memref<1x128x128xf32, #tpu.memory_space<vmem>>
    %dma_wait3A_629 = tpu.memref_squeeze %dma_wait3A_628 : memref<1x128x128xf32, #tpu.memory_space<vmem>> -> memref<128x128xf32, #tpu.memory_space<vmem>>
    tpu.wait_dma2 semaphore(%dma_wait3A_623 : memref<!tpu.dma_semaphore, #tpu.memory_space<semaphore_mem>>) src(%dma_wait3A_629 : memref<128x128xf32, #tpu.memory_space<vmem>>) dst(%dma_wait3A_625 : memref<128x128xf32, #tpu.memory_space<hbm>>)
    return
  }
}

</mosaic_0001>

<sc_bundles>
// kernel: kernel.3.cloned.1.call-start
scs
__scs_entry_jumppad:
0x0: {  	(pc) =	sbr.rel $0x88, $3  }
0x1: {  	(tag) =	ssettag $0x0;
	lr =	simm.s32 $0x1  }
0x2: {  	[smem:$0x3F9F] =	sst lr;
	_ =	strace $0xD0000000  }
0x3: {  	_ = 	snop  }
0x4: {  	_ = 	snop  }
0x5: {  	_ = 	snop  }
0x6: {  	_ = 	snop  }
0x7: {  	_ = 	snop  }
__scs_overlays_trampoline_lowered:
0x8: {  	[smem:$0x3FAE] =	sst s0  }
0x9: {  	[smem:$0x3FAF] =	sst s1  }
0xa: {  	[smem:$0x3FB0] =	sst s2  }
0xb: {  	[smem:$0x3FB1] =	sst s3  }
0xc: {  	[smem:$0x3FB2] =	sst s4  }
0xd: {  	[smem:$0x3FB3] =	sst s5  }
0xe: {  	[smem:$0x3FB4] =	sst s6  }
0xf: {  	[smem:$0x3FB5] =	sst s7  }
0x10: {  	[smem:$0x3FB6] =	sst s8  }
0x11: {  	[smem:$0x3FB7] =	sst s9;
	s0 =	simm.s32 @!p0 $0x0  }
0x12: {  	s1 =	sld [smem:$0x3F9D];
	s0 =	simm.s32 @p0 $0x1  }
0x13: {  	[smem:$0x3FB8] =	sst s0;
	s0 =	simm.s32 @!p1 $0x0  }
0x14: {  	s2 =	sld [smem:$0x3F9C];
	s0 =	simm.s32 @p1 $0x1  }
0x15: {  	[smem:$0x3FB9] =	sst s0;
	s0 =	simm.s32 @!p2 $0x0  }
0x16: {  	s3 =	sld [smem:$0x3FDB];
	s0 =	simm.s32 @p2 $0x1  }
0x17: {  	s4 =	simm.s32 $0x1BF5;
	[smem:$0x3FBB] =	sst s0  }
0x18: {  	s0 =	sld [smem:$0x3F9E];
	_ =	swait.ge [sflag:s4], $0x0  }
0x19: {  	s7 =	sld [smem:$0x3F9F]  }
0x1a: {  	s8 =	sadd.s32 $0xFFFFE003, lr  }
0x1b: {  	s9 =	sadd.s32 $0xFFFFFEF7, lr;
	s5 =	simm.s32 $0xFFFFFFFF;
	p2 =	slt.u32 s8, $0xFFFFF086  }
0x1c: {  	p1 =	slt.u32 s9, $0xF7A;
	s5 =	simm.s32 @!p2 $0x0  }
0x1d: {  	s5 =	simm.s32 @p1 $0x1;
	p0 =	seq.s32 s7, s2  }
0x1e: {  	s7 =	smul.u32 @!p0 $0xF7A, s2;
	p2 =	seq.s32 @!p0 s5, $0x0  }
0x1f: {  	s9 =	smul.u32 $0xF7A, s1;
	s8 =	simm.s32 @!p0 $0x1BF5;
	p2 =	por !p2, p0  }
0x20: {  	[sflag:s8] =	ssyncset.s32 @!p0 $0xFFFFF086;
	s6 =	sadd.s32 @!p0 s3, s7;
	s7 =	simm.s32 @!p0 $0x108  }
0x21: {  	s3 =	sadd.s32 s3, s9;
	s6 =	sadd.s32 @!p0 $0x88, s6;
	s7 =	simm.s32 @p2 $0x1082  }
0x22: {  	[simem:s7], [sflag:s8] =	dma.local @!p0 [hbm:s6], $0xF7A  }
0x23: {  	s9 =	sor.u32 $0xD0000000, s2;
	s6 =	simm.s32 $0x108;
	_ =	swait.ge @!p0 [sflag:s8], $0x0  }
0x24: {  	s3 =	sadd.s32 $0x88, s3;
	s6 =	simm.s32 @!p1 $0x1082;
	[sflag:s4] =	ssyncset.s32 $0xFFFFF086  }
0x25: {  	[simem:s6], [sflag:s4] =	dma.local [hbm:s3], $0xF7A  }
0x26: {  	[smem:$0x3F9F] =	sst s1;
	(tag) =	ssettag s2;
	_ =	strace s9  }
0x27: {  	s1 =	sld [smem:$0x3FAF]  }
0x28: {  	s2 =	sld [smem:$0x3FB0]  }
0x29: {  	s4 =	sld [smem:$0x3FB2]  }
0x2a: {  	p0 =	seq.s32 s5, $0x0;
	s5 =	sld [smem:$0x3FB3]  }
0x2b: {  	s6 =	sld [smem:$0x3FB4]  }
0x2c: {  	s7 =	sld [smem:$0x3FB5]  }
0x2d: {  	s3 =	simm.s32 $0x108;
	s8 =	sld [smem:$0x3FB6]  }
0x2e: {  	s3 =	simm.s32 @!p0 $0x1082;
	s9 =	sld [smem:$0x3FB7]  }
0x2f: {  	lr =	sadd.s32 s0, s3;
	s0 =	sld [smem:$0x3FAE]  }
0x30: {  	s3 =	sld [smem:$0x3FB1]  }
0x31: {  	[smem:$0x3FBA] =	sst s10  }
0x32: {  	s10 =	sld [smem:$0x3FB8];
	_ =	sdelay $0x3  }
0x33: {  	p0 =	seq.s32 s10, $0x1;
	s10 =	sld [smem:$0x3FBA];
	_ =	sdelay $0x3  }
0x34: {  	[smem:$0x3FBA] =	sst s10  }
0x35: {  	s10 =	sld [smem:$0x3FB9];
	_ =	sdelay $0x3  }
0x36: {  	p1 =	seq.s32 s10, $0x1;
	s10 =	sld [smem:$0x3FBA];
	_ =	sdelay $0x3  }
0x37: {  	[smem:$0x3FBA] =	sst s10  }
0x38: {  	s10 =	sld [smem:$0x3FBB]  }
0x39: {  	_ = 	snop;
	(pc) =	sbr.ind lr, $3  }
0x3a: {  	_ = 	snop  }
0x3b: {  	_ = 	snop  }
0x3c: {  	p2 =	seq.s32 s10, $0x1;
	s10 =	sld [smem:$0x3FBA]  }
0x3d: {  	_ =	shalt  }
0x3e: {  	_ =	shalt  }
0x3f: {  	_ =	shalt  }
0x40: {  	_ =	shalt  }
0x41: {  	_ =	shalt  }
0x42: {  	_ =	shalt  }
0x43: {  	_ =	shalt  }
0x44: {  	_ =	shalt  }
0x45: {  	_ =	shalt  }
0x46: {  	_ =	shalt  }
0x47: {  	_ =	shalt  }
0x48: {  	_ =	shalt  }
0x49: {  	_ =	shalt  }
0x4a: {  	_ =	shalt  }
0x4b: {  	_ =	shalt  }
0x4c: {  	_ =	shalt  }
0x4d: {  	_ =	shalt  }
0x4e: {  	_ =	shalt  }
0x4f: {  	_ =	shalt  }
0x50: {  	_ =	shalt  }
0x51: {  	_ =	shalt  }
0x52: {  	_ =	shalt  }
0x53: {  	_ =	shalt  }
0x54: {  	_ =	shalt  }
0x55: {  	_ =	shalt  }
0x56: {  	_ =	shalt  }
0x57: {  	_ =	shalt  }
0x58: {  	_ =	shalt  }
0x59: {  	_ =	shalt  }
0x5a: {  	_ =	shalt  }
0x5b: {  	_ =	shalt  }
0x5c: {  	_ =	shalt  }
0x5d: {  	_ =	shalt  }
0x5e: {  	_ =	shalt  }
0x5f: {  	_ =	shalt  }
0x60: {  	_ =	shalt  }
0x61: {  	_ =	shalt  }
0x62: {  	_ =	shalt  }
0x63: {  	_ =	shalt  }
0x64: {  	_ =	shalt  }
0x65: {  	_ =	shalt  }
0x66: {  	_ =	shalt  }
0x67: {  	_ =	shalt  }
0x68: {  	_ =	shalt  }
0x69: {  	_ =	shalt  }
0x6a: {  	_ =	shalt  }
0x6b: {  	_ =	shalt  }
0x6c: {  	_ =	shalt  }
0x6d: {  	_ =	shalt  }
0x6e: {  	_ =	shalt  }
0x6f: {  	_ =	shalt  }
0x70: {  	_ =	shalt  }
0x71: {  	_ =	shalt  }
0x72: {  	_ =	shalt  }
0x73: {  	_ =	shalt  }
0x74: {  	_ =	shalt  }
0x75: {  	_ =	shalt  }
0x76: {  	_ =	shalt  }
0x77: {  	_ =	shalt  }
0x78: {  	_ =	shalt  }
0x79: {  	_ =	shalt  }
0x7a: {  	_ =	shalt  }
0x7b: {  	_ =	shalt  }
0x7c: {  	_ =	shalt  }
0x7d: {  	_ =	shalt  }
0x7e: {  	_ =	shalt  }
0x7f: {  	_ =	shalt  }
0x80: {  	_ =	shalt  }
0x81: {  	_ =	shalt  }
0x82: {  	_ =	shalt  }
0x83: {  	_ =	shalt  }
0x84: {  	_ =	shalt  }
0x85: {  	_ =	shalt  }
0x86: {  	_ =	shalt  }
0x87: {  	_ =	shalt  }
.Lfunc_end0:
.L_simem_size_0:
called_computation_lowered:
.L_overlay_start_0:
0x88: {  	s2 =	sld [smem:$0x3FD9]  }
0x89: {  	s3 =	sld [smem:$0x3FFE];
	_ =	sdelay $0x1  }
0x8a: {  	s1 =	srdreg.scid  }
0x8b: {  	s0 =	sand.u32 $0x1, s1  }
0x8c: {  	s17 =	sshll.u32 s0, $0xA;
	s2 =	sadd.s32 s3, s2  }
0x8d: {  	s2 =	sadd.s32 s2, s17  }
0x8e: {  	[smem:$0x3FC6] =	sst s2  }
0x8f: {  	_ = 	snop  }
0x90: {  	s2 =	sld [smem:$0x3FC8]  }
0x91: {  	s18 =	sld [smem:$0x3FD0];
	(tm) =	ssettm $0x1  }
0x92: {  	s4 =	sld [smem:$0x3FFB];
	_ =	sdelay $0x3  }
0x93: {  	_ =	strace s4  }
0x94: {  	s4 =	sld [smem:$0x3FFC];
	_ =	sdelay $0x3  }
0x95: {  	_ =	strace s4  }
0x96: {  	s4 =	sld [smem:$0x3FFD];
	_ =	sdelay $0x3  }
0x97: {  	_ =	strace s4  }
0x98: {  	_ =	strace $0x8FFFFFFF  }
0x99: {  	s19 =	sld [smem:$0x3FDB];
	_ =	sdelay $0x1  }
0x9a: {  	s5 =	simm.s32 $_scs_section_size  }
0x9b: {  	s6 =	simm.s32 $_size__tile_overlayer_lowered;
	s7 =	simm.s32 $_tile_overlayer_lowered  }
0x9c: {  	s22 =	simm.s32 $0x1BFF;
	s21 =	sshll.u32 s7, $0x1;
	s4 =	sadd.s32 s5, s19  }
0x9d: {  	s8 =	simm.s32 $0x0;
	s20 =	sshll.u32 s6, $0x1;
	s6 =	sadd.s32 s21, s4  }
0x9e: {  	[timem:s8], [sflag:s22] =	dma.local [hbm:s6], s20  }
0x9f: {  	_ =	swait.ge [sflag:s22], s20  }
0xa0: {  	s5 =	ssub.s32 $0x0, s20;
	[sflag:s22] =	ssyncset.done $0x0  }
0xa1: {  	[sflag:s22] =	ssyncadd.s32 s5;
	_ =	sdelay $0x1  }
0xa2: {  	s23 =	simm.s32 $0x1B8B  }
0xa3: {  	_ =	swait.ge [sflag:s23], $0x1  }
0xa4: {  	[sflag:s23] =	ssyncset.done $0x0  }
0xa5: {  	s25 =	simm.s32 $0x1B8E;
	s24 =	sld [smem:$0x3FFE];
	[sflag:s23] =	ssyncadd.s32 $0xFFFFFFFF  }
0xa6: {  	s26 =	simm.s32 $execute0_lowered;
	[smem:$0x3FD2] =	sst s25  }
0xa7: {  	s6 =	sshll.u32 s26, $0x1;
	_ =	strace $0x80000046;
	[dreg:$0x1] =	wrdreg $0xFFFFFFFF  }
0xa8: {  	s28 =	simm.s32 $_size_execute0_lowered;
	s4 =	sadd.s32 s4, s6;
	[dreg:$0x0] =	wrdreg $0x0  }
0xa9: {  	s6 =	sshll.u32 s28, $0x1;
	[dreg:$0x2] =	wrdreg s4  }
0xaa: {  	[dreg:$0x3] =	wrdreg s6  }
0xab: {  	[dreg:$0x4] =	wrdreg $0xC0  }
0xac: {  	_ =	task [dreg:s8], $0x5FFFF  }
0xad: {  	[dreg:$0x1] =	wrdreg $0xFFFFFFFF  }
0xae: {  	[dreg:$0x0] =	wrdreg $0x60  }
0xaf: {  	[dreg:$0x2] =	wrdreg s24  }
0xb0: {  	[dreg:$0x3] =	wrdreg s2  }
0xb1: {  	[dreg:$0x4] =	wrdreg s18  }
0xb2: {  	[dreg:$0x5] =	wrdreg $0x9  }
0xb3: {  	_ =	task.clear_ibuf [dreg:s8], $0x6FFFF;
	_ =	strace $0x90000046  }
0xb4: {  	s29 =	simm.s32 $0x9;
	_ =	strace $0x80000048  }
0xb5: {  	_ =	swait.ge [sflag:s29], $0x1  }
0xb6: {  	[sflag:s29] =	ssyncadd.s32 $0xFFFFFFFF  }
0xb7: {  	_ =	strace $0x90000048  }
0xb8: {  	_ =	sfence  }
0xb9: {  	s30 =	sld [smem:$0x0];
	_ =	sdelay $0x2  }
0xba: {  	s31 =	sshll.u32 s1, $0xD;
	s1 =	sshrl.u32 s1, $0x2  }
0xbb: {  	s3 =	sand.u32 $0x4000, s31;
	s1 =	sadd.s32 s1, s30  }
0xbc: {  	s0 =	sor.u32 s3, s0;
	s1 =	sshll.u32 s1, $0x11  }
0xbd: {  	s0 =	sor.u32 s1, s0  }
0xbe: {  	s0 =	sadd.s32 $0x8F2B, s0  }
0xbf: {  	[sflag:s0] =	ssyncadd.remote.s32 $0x1  }
0xc0: {  	_ =	sfence.sel $0xFFFF  }
0xc1: {  	[dreg:$0x0] =	wrdreg $0xFFFFFFFF;
	(pc) =	sbr.abs _section_cstart, $3  }
0xc2: {  	[dreg:$0x1] =	wrdreg $0xFFFFFFFF  }
0xc3: {  	_ =	task.clear_ibuf [dreg:s8], $0x2FFFF;
	_ =	strace $0x9FFFFFFF  }
0xc4: {  	(tm) =	ssettm $0x7FFFFFFF  }
0xc5: {  	_ =	shalt  }
tec
execute0_lowered:
.L_overlay_start_1:
0x0: {  	(tag) =	ssettag $0x1  }
0x1: {  	s1 =	rddreg [dreg:$0x0]  }
0x2: {  	s0 =	srdreg.scid;
	s2 =	rddreg [dreg:$0x1]  }
0x3: {  	s10 =	stileid.u32;
	s6 =	rddreg [dreg:$0x2]  }
0x4: {  	s17 =	simm.s32 $0x1;
	s18 =	simm.s32 $0x80;
	s28 =	simm.s32 $0x4  }
0x5: {  	s0 =	sand.u32 $0x1, s0;
	s3 =	sshll.u32 s10, $0x1;
	s25 =	smul.u32 $0xC8000, s10  }
0x6: {  	s5 =	sor.u32 s0, s3;
	s8 =	ssub.s32 $0x2, s0;
	s0 =	smul.u32 $0x64000, s0  }
0x7: {  	s30 =	simm.s32 $0x16400;
	s31 =	simm.s32 $0x5;
	s4 =	smul.u32 $0x6400, s5  }
0x8: {  	s29 =	simm.s32 $0xA;
	s3 =	simm.s32 $0x0;
	s7 =	smul.u32 $0x64000, s5  }
0x9: {  	[smem:$0x7FF] =	sst s3;
	s9 =	sshrl.u32 s8, $0x1;
	s5 =	smul.u32 $0x320000, s5  }
0xa: {  	_ =	strace $0x80000047;
	s19 =	ssub.s32 s8, s9;
	s4 =	sshrl.u32 s4, $0x3  }
0xb: {  	s23 =	sshrl.u32 s5, $0x3;
	s5 =	sadd.s32 s25, s6;
	s1 =	sadd.s32 s4, s1  }
0xc: {  	s15 =	smax.u32 s19, $0x1;
	s4 =	sadd.s32 s6, s7;
	s1 =	sadd.s32 $0x400, s1  }
0xd: {  	s19 =	simm.s32 $0x6400;
	s20 =	sadd.s32 $0x800, s4;
	[dreg:$0x4] =	wrdreg s1  }
0xe: {  	s25 =	simm.s32 $0x8;
	s21 =	sadd.s32 $0x1000, s4;
	[dreg:$0x5] =	wrdreg s20  }
0xf: {  	s0 =	sadd.s32 s0, s5;
	s22 =	sadd.s32 $0x1800, s4;
	[dreg:$0x6] =	wrdreg s21  }
0x10: {  	s5 =	simm.s32 $0xB;
	s24 =	sadd.s32 $0x2000, s4;
	[dreg:$0x7] =	wrdreg s22  }
0x11: {  	s16 =	sadd.s32 $0x4800, s0;
	s0 =	simm.s32 $0x9;
	[dreg:$0x8] =	wrdreg s24  }
0x12: {  	s1 =	sadd.s32 s6, s23;
	s20 =	simm.s32 $0xA400;
	s21 =	simm.s32 $0x2  }
0x13: {  	s23 =	simm.s32 $0xE400;
	s24 =	simm.s32 $0x3;
	s22 =	simm.s32 $0x6  }
0x14: {  	s6 =	simm.s32 $0x0;
	s26 =	sadd.s32 $0x61800, s1;
	s11 =	sadd.s32 $0x62000, s1  }
0x15: {  	s12 =	sadd.s32 $0x62800, s1;
	s13 =	sadd.s32 $0x63000, s1;
	s14 =	sadd.s32 $0x63800, s1  }
0x16: {  	s1 =	simm.s32 $0x7;
	[dreg:$0x9] =	wrdreg s26;
	s26 =	simm.s32 $0x12400  }
.LBB2_1:
0x17: {  	s7 =	rddreg [dreg:$0x4]  }
0x18: {  	[tilespmem:s3], [sflag:$0x1] =	stream.linear.gather [hbm4b:s7+s3], $0x6400, $0x38;
	[tilespmem:$0x1A400] =	vst v63  }
0x19: {  	_ =	swait.ge [sflag:s17], $0x6400  }
0x1a: {  	[sflag:s17] =	ssyncset.done $0x0  }
0x1b: {  	[sflag:s17] =	ssyncadd.s32 $0xFFFF9C00  }
0x1c: {  	[tilespmem:s19], [sflag:$0x2] =	stream.indirect.gather [hbm4b:s2+s18], $0x80, s3, s18, $0xb8;
	[tilespmem:$0x1A400] =	vst v63  }
0x1d: {  	_ = 	snop  }
0x1e: {  	[tilespmem:s20], [sflag:$0x3] =	stream.indirect.gather [hbm4b:s2+s18], $0x80, s18, s18, $0xb8;
	[tilespmem:$0x1A400] =	vst v63  }
0x1f: {  	_ =	swait.ge [sflag:s21], $0x4000  }
0x20: {  	[sflag:s21] =	ssyncset.done $0x0  }
0x21: {  	[sflag:s21] =	ssyncadd.s32 $0xFFFFC000  }
0x22: {  	[hbm4b:s4+s3] =	stream.linear.scatter [tilespmem:s19], [sflag:$0x7], $0x4000, $0x38;
	[tilespmem:$0x1A400] =	vst v63  }
0x23: {  	s9 =	simm.s32 $0x100  }
0x24: {  	[tilespmem:s23], [sflag:$0x4] =	stream.indirect.gather [hbm4b:s2+s18], $0x80, s9, s18, $0xb8;
	[tilespmem:$0x1A400] =	vst v63  }
0x25: {  	_ =	swait.ge [sflag:s24], $0x4000  }
0x26: {  	[sflag:s24] =	ssyncset.done $0x0  }
0x27: {  	s10 =	rddreg [dreg:$0x5];
	[sflag:s24] =	ssyncadd.s32 $0xFFFFC000  }
0x28: {  	[hbm4b:s10+s3] =	stream.linear.scatter [tilespmem:s20], [sflag:$0x8], $0x4000, $0x38;
	[tilespmem:$0x1A400] =	vst v63  }
0x29: {  	s8 =	simm.s32 $0x180  }
0x2a: {  	[tilespmem:s26], [sflag:$0x5] =	stream.indirect.gather [hbm4b:s2+s18], $0x80, s8, s18, $0xb8;
	[tilespmem:$0x1A400] =	vst v63  }
0x2b: {  	_ =	swait.ge [sflag:s28], $0x4000  }
0x2c: {  	[sflag:s28] =	ssyncset.done $0x0  }
0x2d: {  	s9 =	rddreg [dreg:$0x6];
	[sflag:s28] =	ssyncadd.s32 $0xFFFFC000  }
0x2e: {  	[hbm4b:s9+s3] =	stream.linear.scatter [tilespmem:s23], [sflag:$0x9], $0x4000, $0x38;
	[tilespmem:$0x1A400] =	vst v63  }
0x2f: {  	s10 =	simm.s32 $0x200  }
0x30: {  	[tilespmem:s30], [sflag:$0x6] =	stream.indirect.gather [hbm4b:s2+s18], $0x80, s10, s18, $0xb8;
	[tilespmem:$0x1A400] =	vst v63  }
0x31: {  	_ =	swait.ge [sflag:s31], $0x4000  }
0x32: {  	[sflag:s31] =	ssyncset.done $0x0  }
0x33: {  	s8 =	rddreg [dreg:$0x7];
	[sflag:s31] =	ssyncadd.s32 $0xFFFFC000  }
0x34: {  	[hbm4b:s8+s3] =	stream.linear.scatter [tilespmem:s26], [sflag:$0xA], $0x4000, $0x38;
	[tilespmem:$0x1A400] =	vst v63  }
0x35: {  	_ =	swait.ge [sflag:s1], $0x4000  }
0x36: {  	[sflag:s1] =	ssyncset.done $0x0  }
0x37: {  	s9 =	simm.s32 $0x280;
	[sflag:s1] =	ssyncadd.s32 $0xFFFFC000  }
0x38: {  	[tilespmem:s19], [sflag:$0x2] =	stream.indirect.gather [hbm4b:s2+s18], $0x80, s9, s18, $0xb8;
	[tilespmem:$0x1A400] =	vst v63  }
0x39: {  	_ =	swait.ge [sflag:s22], $0x4000  }
0x3a: {  	[sflag:s22] =	ssyncset.done $0x0  }
0x3b: {  	s10 =	rddreg [dreg:$0x8];
	[sflag:s22] =	ssyncadd.s32 $0xFFFFC000  }
0x3c: {  	[hbm4b:s10+s3] =	stream.linear.scatter [tilespmem:s30], [sflag:$0xB], $0x4000, $0x38;
	[tilespmem:$0x1A400] =	vst v63  }
0x3d: {  	_ =	swait.ge [sflag:s25], $0x4000  }
0x3e: {  	[sflag:s25] =	ssyncset.done $0x0  }
0x3f: {  	s8 =	simm.s32 $0x300;
	[sflag:s25] =	ssyncadd.s32 $0xFFFFC000  }
0x40: {  	[tilespmem:s20], [sflag:$0x3] =	stream.indirect.gather [hbm4b:s2+s18], $0x80, s8, s18, $0xb8;
	[tilespmem:$0x1A400] =	vst v63  }
0x41: {  	_ =	swait.ge [sflag:s21], $0x4000  }
0x42: {  	[sflag:s21] =	ssyncset.done $0x0  }
0x43: {  	s9 =	sadd.s32 $0xFFFFE000, s16;
	[sflag:s21] =	ssyncadd.s32 $0xFFFFC000  }
0x44: {  	[hbm4b:s9+s3] =	stream.linear.scatter [tilespmem:s19], [sflag:$0x7], $0x4000, $0x38;
	[tilespmem:$0x1A400] =	vst v63  }
0x45: {  	_ =	swait.ge [sflag:s0], $0x4000  }
0x46: {  	[sflag:s0] =	ssyncset.done $0x0  }
0x47: {  	s10 =	simm.s32 $0x380;
	[sflag:s0] =	ssyncadd.s32 $0xFFFFC000  }
0x48: {  	[tilespmem:s23], [sflag:$0x4] =	stream.indirect.gather [hbm4b:s2+s18], $0x80, s10, s18, $0xb8;
	[tilespmem:$0x1A400] =	vst v63  }
0x49: {  	_ =	swait.ge [sflag:s24], $0x4000  }
0x4a: {  	[sflag:s24] =	ssyncset.done $0x0  }
0x4b: {  	s8 =	sadd.s32 $0xFFFFE800, s16;
	[sflag:s24] =	ssyncadd.s32 $0xFFFFC000  }
0x4c: {  	[hbm4b:s8+s3] =	stream.linear.scatter [tilespmem:s20], [sflag:$0x8], $0x4000, $0x38;
	[tilespmem:$0x1A400] =	vst v63  }
0x4d: {  	_ =	swait.ge [sflag:s29], $0x4000  }
0x4e: {  	[sflag:s29] =	ssyncset.done $0x0  }
0x4f: {  	s9 =	simm.s32 $0x400;
	[sflag:s29] =	ssyncadd.s32 $0xFFFFC000  }
0x50: {  	[tilespmem:s26], [sflag:$0x5] =	stream.indirect.gather [hbm4b:s2+s18], $0x80, s9, s18, $0xb8;
	[tilespmem:$0x1A400] =	vst v63  }
0x51: {  	_ =	swait.ge [sflag:s28], $0x4000  }
0x52: {  	[sflag:s28] =	ssyncset.done $0x0  }
0x53: {  	s10 =	sadd.s32 $0xFFFFF000, s16;
	[sflag:s28] =	ssyncadd.s32 $0xFFFFC000  }
0x54: {  	[hbm4b:s10+s3] =	stream.linear.scatter [tilespmem:s23], [sflag:$0x9], $0x4000, $0x38;
	[tilespmem:$0x1A400] =	vst v63  }
0x55: {  	_ =	swait.ge [sflag:s5], $0x4000  }
0x56: {  	[sflag:s5] =	ssyncset.done $0x0  }
0x57: {  	s8 =	simm.s32 $0x480;
	[sflag:s5] =	ssyncadd.s32 $0xFFFFC000  }
0x58: {  	[tilespmem:s30], [sflag:$0x6] =	stream.indirect.gather [hbm4b:s2+s18], $0x80, s8, s18, $0xb8;
	[tilespmem:$0x1A400] =	vst v63  }
0x59: {  	_ =	swait.ge [sflag:s31], $0x4000  }
0x5a: {  	[sflag:s31] =	ssyncset.done $0x0  }
0x5b: {  	s9 =	sadd.s32 $0xFFFFF800, s16;
	[sflag:s31] =	ssyncadd.s32 $0xFFFFC000  }
0x5c: {  	[hbm4b:s9+s3] =	stream.linear.scatter [tilespmem:s26], [sflag:$0xA], $0x4000, $0x38;
	[tilespmem:$0x1A400] =	vst v63  }
0x5d: {  	_ =	swait.ge [sflag:s1], $0x4000  }
0x5e: {  	[sflag:s1] =	ssyncset.done $0x0  }
0x5f: {  	s10 =	simm.s32 $0x500;
	[sflag:s1] =	ssyncadd.s32 $0xFFFFC000  }
0x60: {  	[tilespmem:s19], [sflag:$0x2] =	stream.indirect.gather [hbm4b:s2+s18], $0x80, s10, s18, $0xb8;
	[tilespmem:$0x1A400] =	vst v63  }
0x61: {  	_ =	swait.ge [sflag:s22], $0x4000  }
0x62: {  	[sflag:s22] =	ssyncset.done $0x0  }
0x63: {  	[sflag:s22] =	ssyncadd.s32 $0xFFFFC000  }
0x64: {  	[hbm4b:s16+s3] =	stream.linear.scatter [tilespmem:s30], [sflag:$0xB], $0x4000, $0x38;
	[tilespmem:$0x1A400] =	vst v63  }
0x65: {  	_ =	swait.ge [sflag:s25], $0x4000  }
0x66: {  	s7 =	simm.s32 $0xA00;
	[sflag:s25] =	ssyncset.done $0x0  }
0x67: {  	s8 =	sadd.s32 $0x2800, s16;
	s9 =	simm.s32 $0x580;
	[sflag:s25] =	ssyncadd.s32 $0xFFFFC000  }
.LBB2_2:
0x68: {  	[tilespmem:s20], [sflag:$0x3] =	stream.indirect.gather [hbm4b:s2+s18], $0x80, s9, s18, $0xb8;
	[tilespmem:$0x1A400] =	vst v63  }
0x69: {  	s9 =	smov.u32 s7  }
0x6a: {  	p0 =	sne.s32 s7, $0x17200;
	s7 =	sadd.s32 $0xA00, s7;
	_ =	swait.ge [sflag:s21], $0x4000  }
0x6b: {  	[sflag:s21] =	ssyncset.done $0x0  }
0x6c: {  	s10 =	sadd.s32 $0xFFFFE000, s8;
	[sflag:s21] =	ssyncadd.s32 $0xFFFFC000  }
0x6d: {  	[hbm4b:s10+s3] =	stream.linear.scatter [tilespmem:s19], [sflag:$0x7], $0x4000, $0x38;
	[tilespmem:$0x1A400] =	vst v63  }
0x6e: {  	_ =	swait.ge [sflag:s0], $0x4000  }
0x6f: {  	s9 =	sshra.s32 s9, $0x2;
	[sflag:s0] =	ssyncset.done $0x0  }
0x70: {  	s10 =	sadd.s32 $0x380, s9;
	[sflag:s0] =	ssyncadd.s32 $0xFFFFC000  }
0x71: {  	[tilespmem:s23], [sflag:$0x4] =	stream.indirect.gather [hbm4b:s2+s18], $0x80, s10, s18, $0xb8;
	[tilespmem:$0x1A400] =	vst v63  }
0x72: {  	_ =	swait.ge [sflag:s24], $0x4000  }
0x73: {  	[sflag:s24] =	ssyncset.done $0x0  }
0x74: {  	s10 =	sadd.s32 $0xFFFFE800, s8;
	[sflag:s24] =	ssyncadd.s32 $0xFFFFC000  }
0x75: {  	[hbm4b:s10+s3] =	stream.linear.scatter [tilespmem:s20], [sflag:$0x8], $0x4000, $0x38;
	[tilespmem:$0x1A400] =	vst v63  }
0x76: {  	_ =	swait.ge [sflag:s29], $0x4000  }
0x77: {  	[sflag:s29] =	ssyncset.done $0x0  }
0x78: {  	s10 =	sadd.s32 $0x400, s9;
	[sflag:s29] =	ssyncadd.s32 $0xFFFFC000  }
0x79: {  	[tilespmem:s26], [sflag:$0x5] =	stream.indirect.gather [hbm4b:s2+s18], $0x80, s10, s18, $0xb8;
	[tilespmem:$0x1A400] =	vst v63  }
0x7a: {  	_ =	swait.ge [sflag:s28], $0x4000  }
0x7b: {  	[sflag:s28] =	ssyncset.done $0x0  }
0x7c: {  	s10 =	sadd.s32 $0xFFFFF000, s8;
	[sflag:s28] =	ssyncadd.s32 $0xFFFFC000  }
0x7d: {  	[hbm4b:s10+s3] =	stream.linear.scatter [tilespmem:s23], [sflag:$0x9], $0x4000, $0x38;
	[tilespmem:$0x1A400] =	vst v63  }
0x7e: {  	_ =	swait.ge [sflag:s5], $0x4000  }
0x7f: {  	[sflag:s5] =	ssyncset.done $0x0  }
0x80: {  	s10 =	sadd.s32 $0x480, s9;
	[sflag:s5] =	ssyncadd.s32 $0xFFFFC000  }
0x81: {  	[tilespmem:s30], [sflag:$0x6] =	stream.indirect.gather [hbm4b:s2+s18], $0x80, s10, s18, $0xb8;
	[tilespmem:$0x1A400] =	vst v63  }
0x82: {  	_ =	swait.ge [sflag:s31], $0x4000  }
0x83: {  	[sflag:s31] =	ssyncset.done $0x0  }
0x84: {  	s10 =	sadd.s32 $0xFFFFF800, s8;
	[sflag:s31] =	ssyncadd.s32 $0xFFFFC000  }
0x85: {  	[hbm4b:s10+s3] =	stream.linear.scatter [tilespmem:s26], [sflag:$0xA], $0x4000, $0x38;
	[tilespmem:$0x1A400] =	vst v63  }
0x86: {  	_ =	swait.ge [sflag:s1], $0x4000  }
0x87: {  	[sflag:s1] =	ssyncset.done $0x0  }
0x88: {  	s10 =	sadd.s32 $0x500, s9;
	[sflag:s1] =	ssyncadd.s32 $0xFFFFC000  }
0x89: {  	[tilespmem:s19], [sflag:$0x2] =	stream.indirect.gather [hbm4b:s2+s18], $0x80, s10, s18, $0xb8;
	[tilespmem:$0x1A400] =	vst v63  }
0x8a: {  	_ =	swait.ge [sflag:s22], $0x4000  }
0x8b: {  	[sflag:s22] =	ssyncset.done $0x0  }
.Ltmp0:
0x8c: {  	[sflag:s22] =	ssyncadd.s32 $0xFFFFC000;
	(pc) =	sbr.rel @p0 .LBB2_2-.Ltmp0, $4  }
0x8d: {  	[hbm4b:s8+s3] =	stream.linear.scatter [tilespmem:s30], [sflag:$0xB], $0x4000, $0x38;
	[tilespmem:$0x1A400] =	vst v63  }
0x8e: {  	_ =	swait.ge [sflag:s25], $0x4000  }
0x8f: {  	[sflag:s25] =	ssyncset.done $0x0  }
0x90: {  	s9 =	sadd.s32 $0x580, s9;
	s8 =	sadd.s32 $0x2800, s8;
	[sflag:s25] =	ssyncadd.s32 $0xFFFFC000  }
0x91: {  	[tilespmem:s20], [sflag:$0x3] =	stream.indirect.gather [hbm4b:s2+s18], $0x80, s9, s18, $0xb8;
	[tilespmem:$0x1A400] =	vst v63  }
0x92: {  	_ =	swait.ge [sflag:s21], $0x4000  }
0x93: {  	[sflag:s21] =	ssyncset.done $0x0  }
0x94: {  	s7 =	rddreg [dreg:$0x9];
	[sflag:s21] =	ssyncadd.s32 $0xFFFFC000  }
0x95: {  	[hbm4b:s7+s3] =	stream.linear.scatter [tilespmem:s19], [sflag:$0x7], $0x4000, $0x38;
	[tilespmem:$0x1A400] =	vst v63  }
0x96: {  	_ =	swait.ge [sflag:s0], $0x4000  }
0x97: {  	[sflag:s0] =	ssyncset.done $0x0  }
0x98: {  	s8 =	simm.s32 $0x6280;
	[sflag:s0] =	ssyncadd.s32 $0xFFFFC000  }
0x99: {  	[tilespmem:s23], [sflag:$0x4] =	stream.indirect.gather [hbm4b:s2+s18], $0x80, s8, s18, $0xb8;
	[tilespmem:$0x1A400] =	vst v63  }
0x9a: {  	_ =	swait.ge [sflag:s24], $0x4000  }
0x9b: {  	[sflag:s24] =	ssyncset.done $0x0  }
0x9c: {  	[sflag:s24] =	ssyncadd.s32 $0xFFFFC000  }
0x9d: {  	[hbm4b:s11+s3] =	stream.linear.scatter [tilespmem:s20], [sflag:$0x8], $0x4000, $0x38;
	[tilespmem:$0x1A400] =	vst v63  }
0x9e: {  	_ =	swait.ge [sflag:s29], $0x4000  }
0x9f: {  	[sflag:s29] =	ssyncset.done $0x0  }
0xa0: {  	s9 =	simm.s32 $0x6300;
	[sflag:s29] =	ssyncadd.s32 $0xFFFFC000  }
0xa1: {  	[tilespmem:s26], [sflag:$0x5] =	stream.indirect.gather [hbm4b:s2+s18], $0x80, s9, s18, $0xb8;
	[tilespmem:$0x1A400] =	vst v63  }
0xa2: {  	_ =	swait.ge [sflag:s28], $0x4000  }
0xa3: {  	[sflag:s28] =	ssyncset.done $0x0  }
0xa4: {  	[sflag:s28] =	ssyncadd.s32 $0xFFFFC000  }
0xa5: {  	[hbm4b:s12+s3] =	stream.linear.scatter [tilespmem:s23], [sflag:$0x9], $0x4000, $0x38;
	[tilespmem:$0x1A400] =	vst v63  }
0xa6: {  	_ =	swait.ge [sflag:s5], $0x4000  }
0xa7: {  	[sflag:s5] =	ssyncset.done $0x0  }
0xa8: {  	s10 =	simm.s32 $0x6380;
	[sflag:s5] =	ssyncadd.s32 $0xFFFFC000  }
0xa9: {  	[tilespmem:s30], [sflag:$0x6] =	stream.indirect.gather [hbm4b:s2+s18], $0x80, s10, s18, $0xb8;
	[tilespmem:$0x1A400] =	vst v63  }
0xaa: {  	_ =	swait.ge [sflag:s31], $0x4000  }
0xab: {  	[sflag:s31] =	ssyncset.done $0x0  }
0xac: {  	[sflag:s31] =	ssyncadd.s32 $0xFFFFC000  }
0xad: {  	[hbm4b:s13+s3] =	stream.linear.scatter [tilespmem:s26], [sflag:$0xA], $0x4000, $0x38;
	[tilespmem:$0x1A400] =	vst v63  }
0xae: {  	_ =	swait.ge [sflag:s1], $0x4000  }
0xaf: {  	[sflag:s1] =	ssyncset.done $0x0  }
0xb0: {  	[sflag:s1] =	ssyncadd.s32 $0xFFFFC000  }
0xb1: {  	_ =	swait.ge [sflag:s22], $0x4000  }
0xb2: {  	[sflag:s22] =	ssyncset.done $0x0  }
0xb3: {  	[sflag:s22] =	ssyncadd.s32 $0xFFFFC000  }
0xb4: {  	[hbm4b:s14+s3] =	stream.linear.scatter [tilespmem:s30], [sflag:$0xB], $0x4000, $0x38;
	[tilespmem:$0x1A400] =	vst v63  }
0xb5: {  	_ =	swait.ge [sflag:s25], $0x4000  }
0xb6: {  	[sflag:s25] =	ssyncset.done $0x0  }
0xb7: {  	[sflag:s25] =	ssyncadd.s32 $0xFFFFC000  }
0xb8: {  	_ =	swait.ge [sflag:s0], $0x4000  }
0xb9: {  	[sflag:s0] =	ssyncset.done $0x0  }
0xba: {  	s6 =	sadd.s32 $0x1, s6;
	[sflag:s0] =	ssyncadd.s32 $0xFFFFC000  }
0xbb: {  	p0 =	sne.s32 s6, s15;
	_ =	swait.ge [sflag:s29], $0x4000  }
.Ltmp1:
0xbc: {  	[sflag:s29] =	ssyncset.done $0x0;
	(pc) =	sbr.rel @p0 .LBB2_1-.Ltmp1, $4  }
0xbd: {  	[sflag:s29] =	ssyncadd.s32 $0xFFFFC000  }
0xbe: {  	_ =	swait.ge [sflag:s5], $0x4000  }
0xbf: {  	[sflag:s5] =	ssyncset.done $0x0  }
0xc0: {  	[sflag:s5] =	ssyncadd.s32 $0xFFFFC000  }
0xc1: {  	_ =	sfence.sel $0x180000  }
0xc2: {  	[bflag:$0x0] =	sbarrier.arrive $0xFFFF  }
0xc3: {  	_ =	strace $0x90000047  }
0xc4: {  	s0 =	stileid.u32;
	[bflag:$0x2] =	sbarrier.arrive $0xFFFF  }
0xc5: {  	p0 =	sne.s32 s0, $0x0;
	s0 =	rddreg [dreg:$0x3]  }
0xc6: {  	s0 =	sadd.s32 @!p0 $0x100000, s0  }
0xc7: {  	[sflag:s0] =	ssyncadd.tile.s32 @!p0 $0x1;
	_ =	shalt  }
.Lfunc_end2:
_tile_overlayer_lowered:
.L_overlay_start_2:
0xc8: {  	(tag) =	ssettag $0x2  }
0xc9: {  	s0 =	rddreg [dreg:$0x0];
	s2 =	stileid.u32  }
0xca: {  	s1 =	rddreg [dreg:$0x1];
	p0 =	sne.s32 s2, $0x0  }
0xcb: {  	s3 =	rddreg [dreg:$0x2];
	[bflag:$0x3] =	sbarrier.arrive $0xFFFF;
	s2 =	simm.s32 @!p0 $0x1C0C  }
0xcc: {  	[timem:s3], [sflag:s2] =	dma.local @!p0 [hbm:s0], s1  }
0xcd: {  	s0 =	simm.s32 @!p0 $0xC  }
0xce: {  	_ =	swait.ge @!p0 [sflag:s0], s1  }
0xcf: {  	s1 =	ssub.s32 @!p0 $0x0, s1;
	[sflag:s0] =	ssyncset.done @!p0 $0x0  }
0xd0: {  	[sflag:s0] =	ssyncadd.s32 @!p0 s1  }
0xd1: {  	[bflag:$0x3] =	sbarrier.arrive $0xFFFF  }
0xd2: {  	_ =	shalt  }

</sc_bundles>
